<compile_context>
chip_gen: v7x
topology: tpu7x:2x2x1
jax: 0.10.2.dev20260603
libtpu: 0.0.44.dev20260713+nightly
codegen_flags: <defaults>
</compile_context>

<pallas_src>
import functools

import jax
import jax.numpy as jnp
from jax import lax
from jax.experimental import pallas as pl
from jax.experimental.pallas import tpu as pltpu
from jax.experimental.pallas import tpu_sc as plsc

LANES = 16
NUM_CORES = 2
NUM_SUBCORES = 16
NW = NUM_CORES * NUM_SUBCORES
CHUNK = 64


def _sc_body(S, D, nchunks, ids_hbm, pos_hbm, tok_hbm, out_hbm,
             idx_v, pos_v, buf0, buf1, gsem0, gsem1):
    cid = lax.axis_index("c")
    sid = lax.axis_index("s")
    wid = sid * NUM_CORES + cid
    rows_per_w = nchunks * CHUNK
    base = wid * rows_per_w

    pltpu.sync_copy(ids_hbm.at[pl.ds(wid * nchunks, nchunks)], idx_v)
    pltpu.sync_copy(pos_hbm, pos_v)

    bufs = (buf0, buf1)
    gsems = (gsem0, gsem1)

    def add_pos(buf):
        def row_step(r, carry2):
            p = lax.rem(r, S)
            for j in range(D // LANES):
                sl = pl.ds(j * LANES, LANES)
                buf[r, sl] = buf[r, sl] + pos_v[p, sl]
            return carry2

        lax.fori_loop(0, CHUNK, row_step, 0, unroll=False)

    pltpu.async_copy(tok_hbm.at[idx_v.at[0]], buf0, gsem0)
    pltpu.async_copy(tok_hbm.at[idx_v.at[1]], buf1, gsem1)

    def pair_step(i, carry):
        c0 = i * 2
        for b in range(2):
            c = c0 + b
            buf, gsem = bufs[b], gsems[b]
            pltpu.make_async_copy(tok_hbm.at[idx_v.at[c]], buf, gsem).wait()
            add_pos(buf)
            pltpu.sync_copy(buf, out_hbm.at[pl.ds(base + c * CHUNK, CHUNK)])
            nc = c + 2

            @pl.when(nc < nchunks)
            def _():
                pltpu.async_copy(tok_hbm.at[idx_v.at[nc]], buf, gsem)

        return carry

    lax.fori_loop(0, nchunks // 2, pair_step, 0, unroll=False)


def kernel(input_ids, token_embedding, position_embedding):
    B, S = input_ids.shape
    V, D = token_embedding.shape
    n_flat = B * S
    assert n_flat % (NW * CHUNK) == 0 and CHUNK % S == 0 and D % LANES == 0
    nchunks = n_flat // (NW * CHUNK)

    ids2d = input_ids.reshape(NW * nchunks, CHUNK).astype(jnp.int32)

    mesh = plsc.VectorSubcoreMesh(core_axis_name="c", subcore_axis_name="s")
    body = functools.partial(_sc_body, S, D, nchunks)
    out = pl.kernel(
        body,
        out_type=jax.ShapeDtypeStruct((n_flat, D), jnp.float32),
        mesh=mesh,
        scratch_types=[
            pltpu.VMEM((nchunks, CHUNK), jnp.int32),
            pltpu.VMEM((S, D), jnp.float32),
            pltpu.VMEM((CHUNK, D), jnp.float32),
            pltpu.VMEM((CHUNK, D), jnp.float32),
            pltpu.SemaphoreType.DMA,
            pltpu.SemaphoreType.DMA,
        ],
    )(ids2d, position_embedding, token_embedding)
    return out.reshape(B, S, D)

# --- scband reference (transcript-rebuilt; emitter-appended) ---
"""Pipeline reference for scband-owl-vi-ttext-embeddings-12171937317546 (READ-ONLY COPY).

The authoritative reference and input builder live on the scoring server;
editing this copy changes nothing except your own understanding.
"""

import jax, jax.numpy as jnp
import numpy as np

VOCAB_SIZE = 49408
HIDDEN_SIZE = 512
MAX_POS = 16
BATCH = 16384
SEQ_LEN = 16


def setup_inputs(seed: int = 0) -> dict:
    key = jax.random.key(seed)
    k1, k2, k3 = jax.random.split(key, 3)
    input_ids = jax.random.randint(k1, (BATCH, SEQ_LEN), 0, VOCAB_SIZE, dtype=jnp.int64 if jax.config.jax_enable_x64 else jnp.int32)
    token_embedding = jax.random.normal(k2, (VOCAB_SIZE, HIDDEN_SIZE), dtype=jnp.float32) * 0.02
    position_embedding = jax.random.normal(k3, (MAX_POS, HIDDEN_SIZE), dtype=jnp.float32) * 0.02
    return {
        "input_ids": input_ids,
        "token_embedding": token_embedding,
        "position_embedding": position_embedding,
    }


def reference(input_ids, token_embedding, position_embedding):
    # seq_length = input_ids.shape[-1]
    seq_length = input_ids.shape[-1]
    # position_ids = arange(max_position_embeddings)[None, :seq_length]
    position_ids = jnp.arange(seq_length)[None, :]
    # inputs_embeds = token_embedding(input_ids)  -> gather
    inputs_embeds = jnp.take(token_embedding, input_ids, axis=0)
    # position_embeddings = position_embedding(position_ids) -> gather
    position_embeddings = jnp.take(position_embedding, position_ids, axis=0)
    embeddings = inputs_embeds + position_embeddings
    return embeddings

if __name__ == "__main__":
    import jax
    _d = setup_inputs()
    print(jax.jit(kernel)(*tuple(_d.values())))

</pallas_src>

<mosaic_0001>
#map = affine_map<(d0, d1) -> (0, 0)>
module attributes {stable_mosaic.version = 14 : i64} {
  func.func @_sc_body(%arg0: i32, %arg1: i32, %arg2: memref<4096x64xi32, #tpu.memory_space<hbm>>, %arg3: memref<16x512xf32, #tpu.memory_space<hbm>>, %arg4: memref<49408x512xf32, #tpu.memory_space<hbm>>, %arg5: memref<262144x512xf32, #tpu.memory_space<hbm>>, %arg6: memref<128x64xi32, #tpu.memory_space<vmem>>, %arg7: memref<16x512xf32, #tpu.memory_space<vmem>>, %arg8: memref<64x512xf32, #tpu.memory_space<vmem>>, %arg9: memref<64x512xf32, #tpu.memory_space<vmem>>, %arg10: memref<!tpu.dma_semaphore, #tpu.memory_space<semaphore_mem>>, %arg11: memref<!tpu.dma_semaphore, #tpu.memory_space<semaphore_mem>>) attributes {dimension_semantics = [#tpu.dimension_semantics<core_parallel>, #tpu.dimension_semantics<subcore_parallel>], iteration_bounds = array<i64: 2, 16>, scalar_prefetch = 0 : i64, scratch_operands = 6 : i64, tpu.core_type = #tpu.core_type<sc_vector_subcore>, window_params = [{transform_indices = #map}, {transform_indices = #map}, {transform_indices = #map}, {transform_indices = #map}]} {
    %mul3A = arith.constant 2 : i32
    %mul3A_0 = arith.muli %arg1, %mul3A : i32
    %add3A = arith.addi %mul3A_0, %arg0 : i32
    %mul3A_1 = arith.constant 8192 : i32
    %mul3A_2 = arith.muli %add3A, %mul3A_1 : i32
    %mul3A_3 = arith.constant 128 : i32
    %mul3A_4 = arith.muli %add3A, %mul3A_3 : i32
    "tpu.region"() ({
      %run_scoped3A = tpu.sem_alloc : memref<!tpu.dma_semaphore, #tpu.memory_space<semaphore_mem>>
      %dma_start3A_23 = arith.constant 0 : i32
      %dma_start3A_24 = tpu.memref_slice %arg2[%mul3A_4, %dma_start3A_23] : memref<4096x64xi32, #tpu.memory_space<hbm>> -> memref<128x64xi32, #tpu.memory_space<hbm>>
      %dma_start3A_25 = arith.constant 0 : i32
      %dma_start3A_26 = tpu.memref_slice %arg2[%mul3A_4, %dma_start3A_25] : memref<4096x64xi32, #tpu.memory_space<hbm>> -> memref<128x64xi32, #tpu.memory_space<hbm>>
      tpu.enqueue_dma source(%dma_start3A_26 : memref<128x64xi32, #tpu.memory_space<hbm>>) target(%arg6 : memref<128x64xi32, #tpu.memory_space<vmem>>) target_semaphore(%run_scoped3A : memref<!tpu.dma_semaphore, #tpu.memory_space<semaphore_mem>>)
      %dma_wait3A = arith.constant 0 : i32
      %dma_wait3A_27 = tpu.memref_slice %arg2[%mul3A_4, %dma_wait3A] : memref<4096x64xi32, #tpu.memory_space<hbm>> -> memref<128x64xi32, #tpu.memory_space<hbm>>
      %dma_wait3A_28 = arith.constant 0 : i32
      %dma_wait3A_29 = tpu.memref_slice %arg2[%mul3A_4, %dma_wait3A_28] : memref<4096x64xi32, #tpu.memory_space<hbm>> -> memref<128x64xi32, #tpu.memory_space<hbm>>
      tpu.wait_dma2 semaphore(%run_scoped3A : memref<!tpu.dma_semaphore, #tpu.memory_space<semaphore_mem>>) src(%dma_wait3A_29 : memref<128x64xi32, #tpu.memory_space<hbm>>) dst(%arg6 : memref<128x64xi32, #tpu.memory_space<vmem>>)
      tpu.yield
    }) : () -> ()
    "tpu.region"() ({
      %run_scoped3A = tpu.sem_alloc : memref<!tpu.dma_semaphore, #tpu.memory_space<semaphore_mem>>
      tpu.enqueue_dma source(%arg3 : memref<16x512xf32, #tpu.memory_space<hbm>>) target(%arg7 : memref<16x512xf32, #tpu.memory_space<vmem>>) target_semaphore(%run_scoped3A : memref<!tpu.dma_semaphore, #tpu.memory_space<semaphore_mem>>)
      tpu.wait_dma2 semaphore(%run_scoped3A : memref<!tpu.dma_semaphore, #tpu.memory_space<semaphore_mem>>) src(%arg3 : memref<16x512xf32, #tpu.memory_space<hbm>>) dst(%arg7 : memref<16x512xf32, #tpu.memory_space<vmem>>)
      tpu.yield
    }) : () -> ()
    %dma_start3A = arith.constant 0 : i32
    %dma_start3A_5 = arith.constant 0 : i32
    %dma_start3A_6 = tpu.memref_slice %arg6[%dma_start3A, %dma_start3A_5] : memref<128x64xi32, #tpu.memory_space<vmem>> -> memref<1x64xi32, #tpu.memory_space<vmem>>
    %dma_start3A_7 = tpu.memref_squeeze %dma_start3A_6 : memref<1x64xi32, #tpu.memory_space<vmem>> -> memref<64xi32, #tpu.memory_space<vmem>>
    %dma_start3A_8 = arith.constant 0 : i32
    %dma_start3A_9 = arith.constant 0 : i32
    %dma_start3A_10 = tpu.memref_slice %arg4[%dma_start3A_8, %dma_start3A_9] : memref<49408x512xf32, #tpu.memory_space<hbm>> -> memref<49408x512xf32, #tpu.memory_space<hbm>>
    tpu.enqueue_indirect_dma source(%dma_start3A_10 : memref<49408x512xf32, #tpu.memory_space<hbm>>) target(%arg8 : memref<64x512xf32, #tpu.memory_space<vmem>>) offsets(%dma_start3A_7 : memref<64xi32, #tpu.memory_space<vmem>>) semaphore(%arg10 : memref<!tpu.dma_semaphore, #tpu.memory_space<semaphore_mem>>)
    %dma_start3A_11 = arith.constant 1 : i32
    %dma_start3A_12 = arith.constant 0 : i32
    %dma_start3A_13 = tpu.memref_slice %arg6[%dma_start3A_11, %dma_start3A_12] : memref<128x64xi32, #tpu.memory_space<vmem>> -> memref<1x64xi32, #tpu.memory_space<vmem>>
    %dma_start3A_14 = tpu.memref_squeeze %dma_start3A_13 : memref<1x64xi32, #tpu.memory_space<vmem>> -> memref<64xi32, #tpu.memory_space<vmem>>
    %dma_start3A_15 = arith.constant 0 : i32
    %dma_start3A_16 = arith.constant 0 : i32
    %dma_start3A_17 = tpu.memref_slice %arg4[%dma_start3A_15, %dma_start3A_16] : memref<49408x512xf32, #tpu.memory_space<hbm>> -> memref<49408x512xf32, #tpu.memory_space<hbm>>
    tpu.enqueue_indirect_dma source(%dma_start3A_17 : memref<49408x512xf32, #tpu.memory_space<hbm>>) target(%arg9 : memref<64x512xf32, #tpu.memory_space<vmem>>) offsets(%dma_start3A_14 : memref<64xi32, #tpu.memory_space<vmem>>) semaphore(%arg11 : memref<!tpu.dma_semaphore, #tpu.memory_space<semaphore_mem>>)
    %scan3A = arith.constant 0 : i32
    %scan3A_18 = arith.constant 0 : i32
    %scan3A_19 = arith.constant 64 : i32
    %scan3A_20 = arith.addi %scan3A_18, %scan3A_19 : i32
    %scan3A_21 = arith.constant 1 : i32
    scf.for %scan3A_23 = %scan3A_18 to %scan3A_20 step %scan3A_21  : i32 {
      %mul3A_24 = arith.constant 2 : i32
      %mul3A_25 = arith.muli %scan3A_23, %mul3A_24 : i32
      %add3A_26 = arith.constant 0 : i32
      %add3A_27 = arith.addi %mul3A_25, %add3A_26 : i32
      %dma_wait3A = arith.constant 0 : i32
      %dma_wait3A_28 = tpu.memref_slice %arg6[%add3A_27, %dma_wait3A] : memref<128x64xi32, #tpu.memory_space<vmem>> -> memref<1x64xi32, #tpu.memory_space<vmem>>
      %dma_wait3A_29 = tpu.memref_squeeze %dma_wait3A_28 : memref<1x64xi32, #tpu.memory_space<vmem>> -> memref<64xi32, #tpu.memory_space<vmem>>
      %dma_wait3A_30 = arith.constant 0 : i32
      %dma_wait3A_31 = arith.constant 0 : i32
      %dma_wait3A_32 = tpu.memref_slice %arg4[%dma_wait3A_30, %dma_wait3A_31] : memref<49408x512xf32, #tpu.memory_space<hbm>> -> memref<49408x512xf32, #tpu.memory_space<hbm>>
      tpu.wait_indirect_dma semaphore(%arg10 : memref<!tpu.dma_semaphore, #tpu.memory_space<semaphore_mem>>) src(%dma_wait3A_32 : memref<49408x512xf32, #tpu.memory_space<hbm>>) dst(%arg8 : memref<64x512xf32, #tpu.memory_space<vmem>>)
      %scan3A_33 = arith.constant 0 : i32
      %scan3A_34 = arith.constant 0 : i32
      %scan3A_35 = arith.constant 64 : i32
      %scan3A_36 = arith.addi %scan3A_34, %scan3A_35 : i32
      %scan3A_37 = arith.constant 1 : i32
      scf.for %scan3A_70 = %scan3A_34 to %scan3A_36 step %scan3A_37  : i32 {
        %rem3A = arith.constant 16 : i32
        %rem3A_71 = arith.remsi %scan3A_70, %rem3A : i32
        %get3A = arith.index_cast %scan3A_70 : i32 to index
        %get3A_72 = arith.constant 0 : index
        %get3A_73 = tpu.vector_load %arg8[%get3A, %get3A_72] {strides = array<i32>} : memref<64x512xf32, #tpu.memory_space<vmem>>, vector<1x16xf32>,
        %get3A_74 = vector.shape_cast %get3A_73 : vector<1x16xf32> to vector<16xf32>
        %get3A_75 = arith.index_cast %rem3A_71 : i32 to index
        %get3A_76 = arith.constant 0 : index
        %get3A_77 = tpu.vector_load %arg7[%get3A_75, %get3A_76] {strides = array<i32>} : memref<16x512xf32, #tpu.memory_space<vmem>>, vector<1x16xf32>,
        %get3A_78 = vector.shape_cast %get3A_77 : vector<1x16xf32> to vector<16xf32>
        %add3A_79 = arith.addf %get3A_74, %get3A_78 : vector<16xf32>
        %swap3A = arith.index_cast %scan3A_70 : i32 to index
        %swap3A_80 = arith.constant 0 : index
        %swap3A_81 = tpu.vector_load %arg8[%swap3A, %swap3A_80] {strides = array<i32>} : memref<64x512xf32, #tpu.memory_space<vmem>>, vector<1x16xf32>,
        %swap3A_82 = vector.shape_cast %swap3A_81 : vector<1x16xf32> to vector<16xf32>
        %swap3A_83 = vector.shape_cast %add3A_79 : vector<16xf32> to vector<1x16xf32>
        tpu.vector_store %arg8[%swap3A, %swap3A_80], %swap3A_83 {strides = array<i32>} : memref<64x512xf32, #tpu.memory_space<vmem>>, vector<1x16xf32>,
        %get3A_84 = arith.index_cast %scan3A_70 : i32 to index
        %get3A_85 = arith.constant 16 : index
        %get3A_86 = tpu.vector_load %arg8[%get3A_84, %get3A_85] {strides = array<i32>} : memref<64x512xf32, #tpu.memory_space<vmem>>, vector<1x16xf32>,
        %get3A_87 = vector.shape_cast %get3A_86 : vector<1x16xf32> to vector<16xf32>
        %get3A_88 = arith.index_cast %rem3A_71 : i32 to index
        %get3A_89 = arith.constant 16 : index
        %get3A_90 = tpu.vector_load %arg7[%get3A_88, %get3A_89] {strides = array<i32>} : memref<16x512xf32, #tpu.memory_space<vmem>>, vector<1x16xf32>,
        %get3A_91 = vector.shape_cast %get3A_90 : vector<1x16xf32> to vector<16xf32>
        %add3A_92 = arith.addf %get3A_87, %get3A_91 : vector<16xf32>
        %swap3A_93 = arith.index_cast %scan3A_70 : i32 to index
        %swap3A_94 = arith.constant 16 : index
        %swap3A_95 = tpu.vector_load %arg8[%swap3A_93, %swap3A_94] {strides = array<i32>} : memref<64x512xf32, #tpu.memory_space<vmem>>, vector<1x16xf32>,
        %swap3A_96 = vector.shape_cast %swap3A_95 : vector<1x16xf32> to vector<16xf32>
        %swap3A_97 = vector.shape_cast %add3A_92 : vector<16xf32> to vector<1x16xf32>
        tpu.vector_store %arg8[%swap3A_93, %swap3A_94], %swap3A_97 {strides = array<i32>} : memref<64x512xf32, #tpu.memory_space<vmem>>, vector<1x16xf32>,
        %get3A_98 = arith.index_cast %scan3A_70 : i32 to index
        %get3A_99 = arith.constant 32 : index
        %get3A_100 = tpu.vector_load %arg8[%get3A_98, %get3A_99] {strides = array<i32>} : memref<64x512xf32, #tpu.memory_space<vmem>>, vector<1x16xf32>,
        %get3A_101 = vector.shape_cast %get3A_100 : vector<1x16xf32> to vector<16xf32>
        %get3A_102 = arith.index_cast %rem3A_71 : i32 to index
        %get3A_103 = arith.constant 32 : index
        %get3A_104 = tpu.vector_load %arg7[%get3A_102, %get3A_103] {strides = array<i32>} : memref<16x512xf32, #tpu.memory_space<vmem>>, vector<1x16xf32>,
        %get3A_105 = vector.shape_cast %get3A_104 : vector<1x16xf32> to vector<16xf32>
        %add3A_106 = arith.addf %get3A_101, %get3A_105 : vector<16xf32>
        %swap3A_107 = arith.index_cast %scan3A_70 : i32 to index
        %swap3A_108 = arith.constant 32 : index
        %swap3A_109 = tpu.vector_load %arg8[%swap3A_107, %swap3A_108] {strides = array<i32>} : memref<64x512xf32, #tpu.memory_space<vmem>>, vector<1x16xf32>,
        %swap3A_110 = vector.shape_cast %swap3A_109 : vector<1x16xf32> to vector<16xf32>
        %swap3A_111 = vector.shape_cast %add3A_106 : vector<16xf32> to vector<1x16xf32>
        tpu.vector_store %arg8[%swap3A_107, %swap3A_108], %swap3A_111 {strides = array<i32>} : memref<64x512xf32, #tpu.memory_space<vmem>>, vector<1x16xf32>,
        %get3A_112 = arith.index_cast %scan3A_70 : i32 to index
        %get3A_113 = arith.constant 48 : index
        %get3A_114 = tpu.vector_load %arg8[%get3A_112, %get3A_113] {strides = array<i32>} : memref<64x512xf32, #tpu.memory_space<vmem>>, vector<1x16xf32>,
        %get3A_115 = vector.shape_cast %get3A_114 : vector<1x16xf32> to vector<16xf32>
        %get3A_116 = arith.index_cast %rem3A_71 : i32 to index
        %get3A_117 = arith.constant 48 : index
        %get3A_118 = tpu.vector_load %arg7[%get3A_116, %get3A_117] {strides = array<i32>} : memref<16x512xf32, #tpu.memory_space<vmem>>, vector<1x16xf32>,
        %get3A_119 = vector.shape_cast %get3A_118 : vector<1x16xf32> to vector<16xf32>
        %add3A_120 = arith.addf %get3A_115, %get3A_119 : vector<16xf32>
        %swap3A_121 = arith.index_cast %scan3A_70 : i32 to index
        %swap3A_122 = arith.constant 48 : index
        %swap3A_123 = tpu.vector_load %arg8[%swap3A_121, %swap3A_122] {strides = array<i32>} : memref<64x512xf32, #tpu.memory_space<vmem>>, vector<1x16xf32>,
        %swap3A_124 = vector.shape_cast %swap3A_123 : vector<1x16xf32> to vector<16xf32>
        %swap3A_125 = vector.shape_cast %add3A_120 : vector<16xf32> to vector<1x16xf32>
        tpu.vector_store %arg8[%swap3A_121, %swap3A_122], %swap3A_125 {strides = array<i32>} : memref<64x512xf32, #tpu.memory_space<vmem>>, vector<1x16xf32>,
        %get3A_126 = arith.index_cast %scan3A_70 : i32 to index
        %get3A_127 = arith.constant 64 : index
        %get3A_128 = tpu.vector_load %arg8[%get3A_126, %get3A_127] {strides = array<i32>} : memref<64x512xf32, #tpu.memory_space<vmem>>, vector<1x16xf32>,
        %get3A_129 = vector.shape_cast %get3A_128 : vector<1x16xf32> to vector<16xf32>
        %get3A_130 = arith.index_cast %rem3A_71 : i32 to index
        %get3A_131 = arith.constant 64 : index
        %get3A_132 = tpu.vector_load %arg7[%get3A_130, %get3A_131] {strides = array<i32>} : memref<16x512xf32, #tpu.memory_space<vmem>>, vector<1x16xf32>,
        %get3A_133 = vector.shape_cast %get3A_132 : vector<1x16xf32> to vector<16xf32>
        %add3A_134 = arith.addf %get3A_129, %get3A_133 : vector<16xf32>
        %swap3A_135 = arith.index_cast %scan3A_70 : i32 to index
        %swap3A_136 = arith.constant 64 : index
        %swap3A_137 = tpu.vector_load %arg8[%swap3A_135, %swap3A_136] {strides = array<i32>} : memref<64x512xf32, #tpu.memory_space<vmem>>, vector<1x16xf32>,
        %swap3A_138 = vector.shape_cast %swap3A_137 : vector<1x16xf32> to vector<16xf32>
        %swap3A_139 = vector.shape_cast %add3A_134 : vector<16xf32> to vector<1x16xf32>
        tpu.vector_store %arg8[%swap3A_135, %swap3A_136], %swap3A_139 {strides = array<i32>} : memref<64x512xf32, #tpu.memory_space<vmem>>, vector<1x16xf32>,
        %get3A_140 = arith.index_cast %scan3A_70 : i32 to index
        %get3A_141 = arith.constant 80 : index
        %get3A_142 = tpu.vector_load %arg8[%get3A_140, %get3A_141] {strides = array<i32>} : memref<64x512xf32, #tpu.memory_space<vmem>>, vector<1x16xf32>,
        %get3A_143 = vector.shape_cast %get3A_142 : vector<1x16xf32> to vector<16xf32>
        %get3A_144 = arith.index_cast %rem3A_71 : i32 to index
        %get3A_145 = arith.constant 80 : index
        %get3A_146 = tpu.vector_load %arg7[%get3A_144, %get3A_145] {strides = array<i32>} : memref<16x512xf32, #tpu.memory_space<vmem>>, vector<1x16xf32>,
        %get3A_147 = vector.shape_cast %get3A_146 : vector<1x16xf32> to vector<16xf32>
        %add3A_148 = arith.addf %get3A_143, %get3A_147 : vector<16xf32>
        %swap3A_149 = arith.index_cast %scan3A_70 : i32 to index
        %swap3A_150 = arith.constant 80 : index
        %swap3A_151 = tpu.vector_load %arg8[%swap3A_149, %swap3A_150] {strides = array<i32>} : memref<64x512xf32, #tpu.memory_space<vmem>>, vector<1x16xf32>,
        %swap3A_152 = vector.shape_cast %swap3A_151 : vector<1x16xf32> to vector<16xf32>
        %swap3A_153 = vector.shape_cast %add3A_148 : vector<16xf32> to vector<1x16xf32>
        tpu.vector_store %arg8[%swap3A_149, %swap3A_150], %swap3A_153 {strides = array<i32>} : memref<64x512xf32, #tpu.memory_space<vmem>>, vector<1x16xf32>,
        %get3A_154 = arith.index_cast %scan3A_70 : i32 to index
        %get3A_155 = arith.constant 96 : index
        %get3A_156 = tpu.vector_load %arg8[%get3A_154, %get3A_155] {strides = array<i32>} : memref<64x512xf32, #tpu.memory_space<vmem>>, vector<1x16xf32>,
        %get3A_157 = vector.shape_cast %get3A_156 : vector<1x16xf32> to vector<16xf32>
        %get3A_158 = arith.index_cast %rem3A_71 : i32 to index
        %get3A_159 = arith.constant 96 : index
        %get3A_160 = tpu.vector_load %arg7[%get3A_158, %get3A_159] {strides = array<i32>} : memref<16x512xf32, #tpu.memory_space<vmem>>, vector<1x16xf32>,
        %get3A_161 = vector.shape_cast %get3A_160 : vector<1x16xf32> to vector<16xf32>
        %add3A_162 = arith.addf %get3A_157, %get3A_161 : vector<16xf32>
        %swap3A_163 = arith.index_cast %scan3A_70 : i32 to index
        %swap3A_164 = arith.constant 96 : index
        %swap3A_165 = tpu.vector_load %arg8[%swap3A_163, %swap3A_164] {strides = array<i32>} : memref<64x512xf32, #tpu.memory_space<vmem>>, vector<1x16xf32>,
        %swap3A_166 = vector.shape_cast %swap3A_165 : vector<1x16xf32> to vector<16xf32>
        %swap3A_167 = vector.shape_cast %add3A_162 : vector<16xf32> to vector<1x16xf32>
        tpu.vector_store %arg8[%swap3A_163, %swap3A_164], %swap3A_167 {strides = array<i32>} : memref<64x512xf32, #tpu.memory_space<vmem>>, vector<1x16xf32>,
        %get3A_168 = arith.index_cast %scan3A_70 : i32 to index
        %get3A_169 = arith.constant 112 : index
        %get3A_170 = tpu.vector_load %arg8[%get3A_168, %get3A_169] {strides = array<i32>} : memref<64x512xf32, #tpu.memory_space<vmem>>, vector<1x16xf32>,
        %get3A_171 = vector.shape_cast %get3A_170 : vector<1x16xf32> to vector<16xf32>
        %get3A_172 = arith.index_cast %rem3A_71 : i32 to index
        %get3A_173 = arith.constant 112 : index
        %get3A_174 = tpu.vector_load %arg7[%get3A_172, %get3A_173] {strides = array<i32>} : memref<16x512xf32, #tpu.memory_space<vmem>>, vector<1x16xf32>,
        %get3A_175 = vector.shape_cast %get3A_174 : vector<1x16xf32> to vector<16xf32>
        %add3A_176 = arith.addf %get3A_171, %get3A_175 : vector<16xf32>
        %swap3A_177 = arith.index_cast %scan3A_70 : i32 to index
        %swap3A_178 = arith.constant 112 : index
        %swap3A_179 = tpu.vector_load %arg8[%swap3A_177, %swap3A_178] {strides = array<i32>} : memref<64x512xf32, #tpu.memory_space<vmem>>, vector<1x16xf32>,
        %swap3A_180 = vector.shape_cast %swap3A_179 : vector<1x16xf32> to vector<16xf32>
        %swap3A_181 = vector.shape_cast %add3A_176 : vector<16xf32> to vector<1x16xf32>
        tpu.vector_store %arg8[%swap3A_177, %swap3A_178], %swap3A_181 {strides = array<i32>} : memref<64x512xf32, #tpu.memory_space<vmem>>, vector<1x16xf32>,
        %get3A_182 = arith.index_cast %scan3A_70 : i32 to index
        %get3A_183 = arith.constant 128 : index
        %get3A_184 = tpu.vector_load %arg8[%get3A_182, %get3A_183] {strides = array<i32>} : memref<64x512xf32, #tpu.memory_space<vmem>>, vector<1x16xf32>,
        %get3A_185 = vector.shape_cast %get3A_184 : vector<1x16xf32> to vector<16xf32>
        %get3A_186 = arith.index_cast %rem3A_71 : i32 to index
        %get3A_187 = arith.constant 128 : index
        %get3A_188 = tpu.vector_load %arg7[%get3A_186, %get3A_187] {strides = array<i32>} : memref<16x512xf32, #tpu.memory_space<vmem>>, vector<1x16xf32>,
        %get3A_189 = vector.shape_cast %get3A_188 : vector<1x16xf32> to vector<16xf32>
        %add3A_190 = arith.addf %get3A_185, %get3A_189 : vector<16xf32>
        %swap3A_191 = arith.index_cast %scan3A_70 : i32 to index
        %swap3A_192 = arith.constant 128 : index
        %swap3A_193 = tpu.vector_load %arg8[%swap3A_191, %swap3A_192] {strides = array<i32>} : memref<64x512xf32, #tpu.memory_space<vmem>>, vector<1x16xf32>,
        %swap3A_194 = vector.shape_cast %swap3A_193 : vector<1x16xf32> to vector<16xf32>
        %swap3A_195 = vector.shape_cast %add3A_190 : vector<16xf32> to vector<1x16xf32>
        tpu.vector_store %arg8[%swap3A_191, %swap3A_192], %swap3A_195 {strides = array<i32>} : memref<64x512xf32, #tpu.memory_space<vmem>>, vector<1x16xf32>,
        %get3A_196 = arith.index_cast %scan3A_70 : i32 to index
        %get3A_197 = arith.constant 144 : index
        %get3A_198 = tpu.vector_load %arg8[%get3A_196, %get3A_197] {strides = array<i32>} : memref<64x512xf32, #tpu.memory_space<vmem>>, vector<1x16xf32>,
        %get3A_199 = vector.shape_cast %get3A_198 : vector<1x16xf32> to vector<16xf32>
        %get3A_200 = arith.index_cast %rem3A_71 : i32 to index
        %get3A_201 = arith.constant 144 : index
        %get3A_202 = tpu.vector_load %arg7[%get3A_200, %get3A_201] {strides = array<i32>} : memref<16x512xf32, #tpu.memory_space<vmem>>, vector<1x16xf32>,
        %get3A_203 = vector.shape_cast %get3A_202 : vector<1x16xf32> to vector<16xf32>
        %add3A_204 = arith.addf %get3A_199, %get3A_203 : vector<16xf32>
        %swap3A_205 = arith.index_cast %scan3A_70 : i32 to index
        %swap3A_206 = arith.constant 144 : index
        %swap3A_207 = tpu.vector_load %arg8[%swap3A_205, %swap3A_206] {strides = array<i32>} : memref<64x512xf32, #tpu.memory_space<vmem>>, vector<1x16xf32>,
        %swap3A_208 = vector.shape_cast %swap3A_207 : vector<1x16xf32> to vector<16xf32>
        %swap3A_209 = vector.shape_cast %add3A_204 : vector<16xf32> to vector<1x16xf32>
        tpu.vector_store %arg8[%swap3A_205, %swap3A_206], %swap3A_209 {strides = array<i32>} : memref<64x512xf32, #tpu.memory_space<vmem>>, vector<1x16xf32>,
        %get3A_210 = arith.index_cast %scan3A_70 : i32 to index
        %get3A_211 = arith.constant 160 : index
        %get3A_212 = tpu.vector_load %arg8[%get3A_210, %get3A_211] {strides = array<i32>} : memref<64x512xf32, #tpu.memory_space<vmem>>, vector<1x16xf32>,
        %get3A_213 = vector.shape_cast %get3A_212 : vector<1x16xf32> to vector<16xf32>
        %get3A_214 = arith.index_cast %rem3A_71 : i32 to index
        %get3A_215 = arith.constant 160 : index
        %get3A_216 = tpu.vector_load %arg7[%get3A_214, %get3A_215] {strides = array<i32>} : memref<16x512xf32, #tpu.memory_space<vmem>>, vector<1x16xf32>,
        %get3A_217 = vector.shape_cast %get3A_216 : vector<1x16xf32> to vector<16xf32>
        %add3A_218 = arith.addf %get3A_213, %get3A_217 : vector<16xf32>
        %swap3A_219 = arith.index_cast %scan3A_70 : i32 to index
        %swap3A_220 = arith.constant 160 : index
        %swap3A_221 = tpu.vector_load %arg8[%swap3A_219, %swap3A_220] {strides = array<i32>} : memref<64x512xf32, #tpu.memory_space<vmem>>, vector<1x16xf32>,
        %swap3A_222 = vector.shape_cast %swap3A_221 : vector<1x16xf32> to vector<16xf32>
        %swap3A_223 = vector.shape_cast %add3A_218 : vector<16xf32> to vector<1x16xf32>
        tpu.vector_store %arg8[%swap3A_219, %swap3A_220], %swap3A_223 {strides = array<i32>} : memref<64x512xf32, #tpu.memory_space<vmem>>, vector<1x16xf32>,
        %get3A_224 = arith.index_cast %scan3A_70 : i32 to index
        %get3A_225 = arith.constant 176 : index
        %get3A_226 = tpu.vector_load %arg8[%get3A_224, %get3A_225] {strides = array<i32>} : memref<64x512xf32, #tpu.memory_space<vmem>>, vector<1x16xf32>,
        %get3A_227 = vector.shape_cast %get3A_226 : vector<1x16xf32> to vector<16xf32>
        %get3A_228 = arith.index_cast %rem3A_71 : i32 to index
        %get3A_229 = arith.constant 176 : index
        %get3A_230 = tpu.vector_load %arg7[%get3A_228, %get3A_229] {strides = array<i32>} : memref<16x512xf32, #tpu.memory_space<vmem>>, vector<1x16xf32>,
        %get3A_231 = vector.shape_cast %get3A_230 : vector<1x16xf32> to vector<16xf32>
        %add3A_232 = arith.addf %get3A_227, %get3A_231 : vector<16xf32>
        %swap3A_233 = arith.index_cast %scan3A_70 : i32 to index
        %swap3A_234 = arith.constant 176 : index
        %swap3A_235 = tpu.vector_load %arg8[%swap3A_233, %swap3A_234] {strides = array<i32>} : memref<64x512xf32, #tpu.memory_space<vmem>>, vector<1x16xf32>,
        %swap3A_236 = vector.shape_cast %swap3A_235 : vector<1x16xf32> to vector<16xf32>
        %swap3A_237 = vector.shape_cast %add3A_232 : vector<16xf32> to vector<1x16xf32>
        tpu.vector_store %arg8[%swap3A_233, %swap3A_234], %swap3A_237 {strides = array<i32>} : memref<64x512xf32, #tpu.memory_space<vmem>>, vector<1x16xf32>,
        %get3A_238 = arith.index_cast %scan3A_70 : i32 to index
        %get3A_239 = arith.constant 192 : index
        %get3A_240 = tpu.vector_load %arg8[%get3A_238, %get3A_239] {strides = array<i32>} : memref<64x512xf32, #tpu.memory_space<vmem>>, vector<1x16xf32>,
        %get3A_241 = vector.shape_cast %get3A_240 : vector<1x16xf32> to vector<16xf32>
        %get3A_242 = arith.index_cast %rem3A_71 : i32 to index
        %get3A_243 = arith.constant 192 : index
        %get3A_244 = tpu.vector_load %arg7[%get3A_242, %get3A_243] {strides = array<i32>} : memref<16x512xf32, #tpu.memory_space<vmem>>, vector<1x16xf32>,
        %get3A_245 = vector.shape_cast %get3A_244 : vector<1x16xf32> to vector<16xf32>
        %add3A_246 = arith.addf %get3A_241, %get3A_245 : vector<16xf32>
        %swap3A_247 = arith.index_cast %scan3A_70 : i32 to index
        %swap3A_248 = arith.constant 192 : index
        %swap3A_249 = tpu.vector_load %arg8[%swap3A_247, %swap3A_248] {strides = array<i32>} : memref<64x512xf32, #tpu.memory_space<vmem>>, vector<1x16xf32>,
        %swap3A_250 = vector.shape_cast %swap3A_249 : vector<1x16xf32> to vector<16xf32>
        %swap3A_251 = vector.shape_cast %add3A_246 : vector<16xf32> to vector<1x16xf32>
        tpu.vector_store %arg8[%swap3A_247, %swap3A_248], %swap3A_251 {strides = array<i32>} : memref<64x512xf32, #tpu.memory_space<vmem>>, vector<1x16xf32>,
        %get3A_252 = arith.index_cast %scan3A_70 : i32 to index
        %get3A_253 = arith.constant 208 : index
        %get3A_254 = tpu.vector_load %arg8[%get3A_252, %get3A_253] {strides = array<i32>} : memref<64x512xf32, #tpu.memory_space<vmem>>, vector<1x16xf32>,
        %get3A_255 = vector.shape_cast %get3A_254 : vector<1x16xf32> to vector<16xf32>
        %get3A_256 = arith.index_cast %rem3A_71 : i32 to index
        %get3A_257 = arith.constant 208 : index
        %get3A_258 = tpu.vector_load %arg7[%get3A_256, %get3A_257] {strides = array<i32>} : memref<16x512xf32, #tpu.memory_space<vmem>>, vector<1x16xf32>,
        %get3A_259 = vector.shape_cast %get3A_258 : vector<1x16xf32> to vector<16xf32>
        %add3A_260 = arith.addf %get3A_255, %get3A_259 : vector<16xf32>
        %swap3A_261 = arith.index_cast %scan3A_70 : i32 to index
        %swap3A_262 = arith.constant 208 : index
        %swap3A_263 = tpu.vector_load %arg8[%swap3A_261, %swap3A_262] {strides = array<i32>} : memref<64x512xf32, #tpu.memory_space<vmem>>, vector<1x16xf32>,
        %swap3A_264 = vector.shape_cast %swap3A_263 : vector<1x16xf32> to vector<16xf32>
        %swap3A_265 = vector.shape_cast %add3A_260 : vector<16xf32> to vector<1x16xf32>
        tpu.vector_store %arg8[%swap3A_261, %swap3A_262], %swap3A_265 {strides = array<i32>} : memref<64x512xf32, #tpu.memory_space<vmem>>, vector<1x16xf32>,
        %get3A_266 = arith.index_cast %scan3A_70 : i32 to index
        %get3A_267 = arith.constant 224 : index
        %get3A_268 = tpu.vector_load %arg8[%get3A_266, %get3A_267] {strides = array<i32>} : memref<64x512xf32, #tpu.memory_space<vmem>>, vector<1x16xf32>,
        %get3A_269 = vector.shape_cast %get3A_268 : vector<1x16xf32> to vector<16xf32>
        %get3A_270 = arith.index_cast %rem3A_71 : i32 to index
        %get3A_271 = arith.constant 224 : index
        %get3A_272 = tpu.vector_load %arg7[%get3A_270, %get3A_271] {strides = array<i32>} : memref<16x512xf32, #tpu.memory_space<vmem>>, vector<1x16xf32>,
        %get3A_273 = vector.shape_cast %get3A_272 : vector<1x16xf32> to vector<16xf32>
        %add3A_274 = arith.addf %get3A_269, %get3A_273 : vector<16xf32>
        %swap3A_275 = arith.index_cast %scan3A_70 : i32 to index
        %swap3A_276 = arith.constant 224 : index
        %swap3A_277 = tpu.vector_load %arg8[%swap3A_275, %swap3A_276] {strides = array<i32>} : memref<64x512xf32, #tpu.memory_space<vmem>>, vector<1x16xf32>,
        %swap3A_278 = vector.shape_cast %swap3A_277 : vector<1x16xf32> to vector<16xf32>
        %swap3A_279 = vector.shape_cast %add3A_274 : vector<16xf32> to vector<1x16xf32>
        tpu.vector_store %arg8[%swap3A_275, %swap3A_276], %swap3A_279 {strides = array<i32>} : memref<64x512xf32, #tpu.memory_space<vmem>>, vector<1x16xf32>,
        %get3A_280 = arith.index_cast %scan3A_70 : i32 to index
        %get3A_281 = arith.constant 240 : index
        %get3A_282 = tpu.vector_load %arg8[%get3A_280, %get3A_281] {strides = array<i32>} : memref<64x512xf32, #tpu.memory_space<vmem>>, vector<1x16xf32>,
        %get3A_283 = vector.shape_cast %get3A_282 : vector<1x16xf32> to vector<16xf32>
        %get3A_284 = arith.index_cast %rem3A_71 : i32 to index
        %get3A_285 = arith.constant 240 : index
        %get3A_286 = tpu.vector_load %arg7[%get3A_284, %get3A_285] {strides = array<i32>} : memref<16x512xf32, #tpu.memory_space<vmem>>, vector<1x16xf32>,
        %get3A_287 = vector.shape_cast %get3A_286 : vector<1x16xf32> to vector<16xf32>
        %add3A_288 = arith.addf %get3A_283, %get3A_287 : vector<16xf32>
        %swap3A_289 = arith.index_cast %scan3A_70 : i32 to index
        %swap3A_290 = arith.constant 240 : index
        %swap3A_291 = tpu.vector_load %arg8[%swap3A_289, %swap3A_290] {strides = array<i32>} : memref<64x512xf32, #tpu.memory_space<vmem>>, vector<1x16xf32>,
        %swap3A_292 = vector.shape_cast %swap3A_291 : vector<1x16xf32> to vector<16xf32>
        %swap3A_293 = vector.shape_cast %add3A_288 : vector<16xf32> to vector<1x16xf32>
        tpu.vector_store %arg8[%swap3A_289, %swap3A_290], %swap3A_293 {strides = array<i32>} : memref<64x512xf32, #tpu.memory_space<vmem>>, vector<1x16xf32>,
        %get3A_294 = arith.index_cast %scan3A_70 : i32 to index
        %get3A_295 = arith.constant 256 : index
        %get3A_296 = tpu.vector_load %arg8[%get3A_294, %get3A_295] {strides = array<i32>} : memref<64x512xf32, #tpu.memory_space<vmem>>, vector<1x16xf32>,
        %get3A_297 = vector.shape_cast %get3A_296 : vector<1x16xf32> to vector<16xf32>
        %get3A_298 = arith.index_cast %rem3A_71 : i32 to index
        %get3A_299 = arith.constant 256 : index
        %get3A_300 = tpu.vector_load %arg7[%get3A_298, %get3A_299] {strides = array<i32>} : memref<16x512xf32, #tpu.memory_space<vmem>>, vector<1x16xf32>,
        %get3A_301 = vector.shape_cast %get3A_300 : vector<1x16xf32> to vector<16xf32>
        %add3A_302 = arith.addf %get3A_297, %get3A_301 : vector<16xf32>
        %swap3A_303 = arith.index_cast %scan3A_70 : i32 to index
        %swap3A_304 = arith.constant 256 : index
        %swap3A_305 = tpu.vector_load %arg8[%swap3A_303, %swap3A_304] {strides = array<i32>} : memref<64x512xf32, #tpu.memory_space<vmem>>, vector<1x16xf32>,
        %swap3A_306 = vector.shape_cast %swap3A_305 : vector<1x16xf32> to vector<16xf32>
        %swap3A_307 = vector.shape_cast %add3A_302 : vector<16xf32> to vector<1x16xf32>
        tpu.vector_store %arg8[%swap3A_303, %swap3A_304], %swap3A_307 {strides = array<i32>} : memref<64x512xf32, #tpu.memory_space<vmem>>, vector<1x16xf32>,
        %get3A_308 = arith.index_cast %scan3A_70 : i32 to index
        %get3A_309 = arith.constant 272 : index
        %get3A_310 = tpu.vector_load %arg8[%get3A_308, %get3A_309] {strides = array<i32>} : memref<64x512xf32, #tpu.memory_space<vmem>>, vector<1x16xf32>,
        %get3A_311 = vector.shape_cast %get3A_310 : vector<1x16xf32> to vector<16xf32>
        %get3A_312 = arith.index_cast %rem3A_71 : i32 to index
        %get3A_313 = arith.constant 272 : index
        %get3A_314 = tpu.vector_load %arg7[%get3A_312, %get3A_313] {strides = array<i32>} : memref<16x512xf32, #tpu.memory_space<vmem>>, vector<1x16xf32>,
        %get3A_315 = vector.shape_cast %get3A_314 : vector<1x16xf32> to vector<16xf32>
        %add3A_316 = arith.addf %get3A_311, %get3A_315 : vector<16xf32>
        %swap3A_317 = arith.index_cast %scan3A_70 : i32 to index
        %swap3A_318 = arith.constant 272 : index
        %swap3A_319 = tpu.vector_load %arg8[%swap3A_317, %swap3A_318] {strides = array<i32>} : memref<64x512xf32, #tpu.memory_space<vmem>>, vector<1x16xf32>,
        %swap3A_320 = vector.shape_cast %swap3A_319 : vector<1x16xf32> to vector<16xf32>
        %swap3A_321 = vector.shape_cast %add3A_316 : vector<16xf32> to vector<1x16xf32>
        tpu.vector_store %arg8[%swap3A_317, %swap3A_318], %swap3A_321 {strides = array<i32>} : memref<64x512xf32, #tpu.memory_space<vmem>>, vector<1x16xf32>,
        %get3A_322 = arith.index_cast %scan3A_70 : i32 to index
        %get3A_323 = arith.constant 288 : index
        %get3A_324 = tpu.vector_load %arg8[%get3A_322, %get3A_323] {strides = array<i32>} : memref<64x512xf32, #tpu.memory_space<vmem>>, vector<1x16xf32>,
        %get3A_325 = vector.shape_cast %get3A_324 : vector<1x16xf32> to vector<16xf32>
        %get3A_326 = arith.index_cast %rem3A_71 : i32 to index
        %get3A_327 = arith.constant 288 : index
        %get3A_328 = tpu.vector_load %arg7[%get3A_326, %get3A_327] {strides = array<i32>} : memref<16x512xf32, #tpu.memory_space<vmem>>, vector<1x16xf32>,
        %get3A_329 = vector.shape_cast %get3A_328 : vector<1x16xf32> to vector<16xf32>
        %add3A_330 = arith.addf %get3A_325, %get3A_329 : vector<16xf32>
        %swap3A_331 = arith.index_cast %scan3A_70 : i32 to index
        %swap3A_332 = arith.constant 288 : index
        %swap3A_333 = tpu.vector_load %arg8[%swap3A_331, %swap3A_332] {strides = array<i32>} : memref<64x512xf32, #tpu.memory_space<vmem>>, vector<1x16xf32>,
        %swap3A_334 = vector.shape_cast %swap3A_333 : vector<1x16xf32> to vector<16xf32>
        %swap3A_335 = vector.shape_cast %add3A_330 : vector<16xf32> to vector<1x16xf32>
        tpu.vector_store %arg8[%swap3A_331, %swap3A_332], %swap3A_335 {strides = array<i32>} : memref<64x512xf32, #tpu.memory_space<vmem>>, vector<1x16xf32>,
        %get3A_336 = arith.index_cast %scan3A_70 : i32 to index
        %get3A_337 = arith.constant 304 : index
        %get3A_338 = tpu.vector_load %arg8[%get3A_336, %get3A_337] {strides = array<i32>} : memref<64x512xf32, #tpu.memory_space<vmem>>, vector<1x16xf32>,
        %get3A_339 = vector.shape_cast %get3A_338 : vector<1x16xf32> to vector<16xf32>
        %get3A_340 = arith.index_cast %rem3A_71 : i32 to index
        %get3A_341 = arith.constant 304 : index
        %get3A_342 = tpu.vector_load %arg7[%get3A_340, %get3A_341] {strides = array<i32>} : memref<16x512xf32, #tpu.memory_space<vmem>>, vector<1x16xf32>,
        %get3A_343 = vector.shape_cast %get3A_342 : vector<1x16xf32> to vector<16xf32>
        %add3A_344 = arith.addf %get3A_339, %get3A_343 : vector<16xf32>
        %swap3A_345 = arith.index_cast %scan3A_70 : i32 to index
        %swap3A_346 = arith.constant 304 : index
        %swap3A_347 = tpu.vector_load %arg8[%swap3A_345, %swap3A_346] {strides = array<i32>} : memref<64x512xf32, #tpu.memory_space<vmem>>, vector<1x16xf32>,
        %swap3A_348 = vector.shape_cast %swap3A_347 : vector<1x16xf32> to vector<16xf32>
        %swap3A_349 = vector.shape_cast %add3A_344 : vector<16xf32> to vector<1x16xf32>
        tpu.vector_store %arg8[%swap3A_345, %swap3A_346], %swap3A_349 {strides = array<i32>} : memref<64x512xf32, #tpu.memory_space<vmem>>, vector<1x16xf32>,
        %get3A_350 = arith.index_cast %scan3A_70 : i32 to index
        %get3A_351 = arith.constant 320 : index
        %get3A_352 = tpu.vector_load %arg8[%get3A_350, %get3A_351] {strides = array<i32>} : memref<64x512xf32, #tpu.memory_space<vmem>>, vector<1x16xf32>,
        %get3A_353 = vector.shape_cast %get3A_352 : vector<1x16xf32> to vector<16xf32>
        %get3A_354 = arith.index_cast %rem3A_71 : i32 to index
        %get3A_355 = arith.constant 320 : index
        %get3A_356 = tpu.vector_load %arg7[%get3A_354, %get3A_355] {strides = array<i32>} : memref<16x512xf32, #tpu.memory_space<vmem>>, vector<1x16xf32>,
        %get3A_357 = vector.shape_cast %get3A_356 : vector<1x16xf32> to vector<16xf32>
        %add3A_358 = arith.addf %get3A_353, %get3A_357 : vector<16xf32>
        %swap3A_359 = arith.index_cast %scan3A_70 : i32 to index
        %swap3A_360 = arith.constant 320 : index
        %swap3A_361 = tpu.vector_load %arg8[%swap3A_359, %swap3A_360] {strides = array<i32>} : memref<64x512xf32, #tpu.memory_space<vmem>>, vector<1x16xf32>,
        %swap3A_362 = vector.shape_cast %swap3A_361 : vector<1x16xf32> to vector<16xf32>
        %swap3A_363 = vector.shape_cast %add3A_358 : vector<16xf32> to vector<1x16xf32>
        tpu.vector_store %arg8[%swap3A_359, %swap3A_360], %swap3A_363 {strides = array<i32>} : memref<64x512xf32, #tpu.memory_space<vmem>>, vector<1x16xf32>,
        %get3A_364 = arith.index_cast %scan3A_70 : i32 to index
        %get3A_365 = arith.constant 336 : index
        %get3A_366 = tpu.vector_load %arg8[%get3A_364, %get3A_365] {strides = array<i32>} : memref<64x512xf32, #tpu.memory_space<vmem>>, vector<1x16xf32>,
        %get3A_367 = vector.shape_cast %get3A_366 : vector<1x16xf32> to vector<16xf32>
        %get3A_368 = arith.index_cast %rem3A_71 : i32 to index
        %get3A_369 = arith.constant 336 : index
        %get3A_370 = tpu.vector_load %arg7[%get3A_368, %get3A_369] {strides = array<i32>} : memref<16x512xf32, #tpu.memory_space<vmem>>, vector<1x16xf32>,
        %get3A_371 = vector.shape_cast %get3A_370 : vector<1x16xf32> to vector<16xf32>
        %add3A_372 = arith.addf %get3A_367, %get3A_371 : vector<16xf32>
        %swap3A_373 = arith.index_cast %scan3A_70 : i32 to index
        %swap3A_374 = arith.constant 336 : index
        %swap3A_375 = tpu.vector_load %arg8[%swap3A_373, %swap3A_374] {strides = array<i32>} : memref<64x512xf32, #tpu.memory_space<vmem>>, vector<1x16xf32>,
        %swap3A_376 = vector.shape_cast %swap3A_375 : vector<1x16xf32> to vector<16xf32>
        %swap3A_377 = vector.shape_cast %add3A_372 : vector<16xf32> to vector<1x16xf32>
        tpu.vector_store %arg8[%swap3A_373, %swap3A_374], %swap3A_377 {strides = array<i32>} : memref<64x512xf32, #tpu.memory_space<vmem>>, vector<1x16xf32>,
        %get3A_378 = arith.index_cast %scan3A_70 : i32 to index
        %get3A_379 = arith.constant 352 : index
        %get3A_380 = tpu.vector_load %arg8[%get3A_378, %get3A_379] {strides = array<i32>} : memref<64x512xf32, #tpu.memory_space<vmem>>, vector<1x16xf32>,
        %get3A_381 = vector.shape_cast %get3A_380 : vector<1x16xf32> to vector<16xf32>
        %get3A_382 = arith.index_cast %rem3A_71 : i32 to index
        %get3A_383 = arith.constant 352 : index
        %get3A_384 = tpu.vector_load %arg7[%get3A_382, %get3A_383] {strides = array<i32>} : memref<16x512xf32, #tpu.memory_space<vmem>>, vector<1x16xf32>,
        %get3A_385 = vector.shape_cast %get3A_384 : vector<1x16xf32> to vector<16xf32>
        %add3A_386 = arith.addf %get3A_381, %get3A_385 : vector<16xf32>
        %swap3A_387 = arith.index_cast %scan3A_70 : i32 to index
        %swap3A_388 = arith.constant 352 : index
        %swap3A_389 = tpu.vector_load %arg8[%swap3A_387, %swap3A_388] {strides = array<i32>} : memref<64x512xf32, #tpu.memory_space<vmem>>, vector<1x16xf32>,
        %swap3A_390 = vector.shape_cast %swap3A_389 : vector<1x16xf32> to vector<16xf32>
        %swap3A_391 = vector.shape_cast %add3A_386 : vector<16xf32> to vector<1x16xf32>
        tpu.vector_store %arg8[%swap3A_387, %swap3A_388], %swap3A_391 {strides = array<i32>} : memref<64x512xf32, #tpu.memory_space<vmem>>, vector<1x16xf32>,
        %get3A_392 = arith.index_cast %scan3A_70 : i32 to index
        %get3A_393 = arith.constant 368 : index
        %get3A_394 = tpu.vector_load %arg8[%get3A_392, %get3A_393] {strides = array<i32>} : memref<64x512xf32, #tpu.memory_space<vmem>>, vector<1x16xf32>,
        %get3A_395 = vector.shape_cast %get3A_394 : vector<1x16xf32> to vector<16xf32>
        %get3A_396 = arith.index_cast %rem3A_71 : i32 to index
        %get3A_397 = arith.constant 368 : index
        %get3A_398 = tpu.vector_load %arg7[%get3A_396, %get3A_397] {strides = array<i32>} : memref<16x512xf32, #tpu.memory_space<vmem>>, vector<1x16xf32>,
        %get3A_399 = vector.shape_cast %get3A_398 : vector<1x16xf32> to vector<16xf32>
        %add3A_400 = arith.addf %get3A_395, %get3A_399 : vector<16xf32>
        %swap3A_401 = arith.index_cast %scan3A_70 : i32 to index
        %swap3A_402 = arith.constant 368 : index
        %swap3A_403 = tpu.vector_load %arg8[%swap3A_401, %swap3A_402] {strides = array<i32>} : memref<64x512xf32, #tpu.memory_space<vmem>>, vector<1x16xf32>,
        %swap3A_404 = vector.shape_cast %swap3A_403 : vector<1x16xf32> to vector<16xf32>
        %swap3A_405 = vector.shape_cast %add3A_400 : vector<16xf32> to vector<1x16xf32>
        tpu.vector_store %arg8[%swap3A_401, %swap3A_402], %swap3A_405 {strides = array<i32>} : memref<64x512xf32, #tpu.memory_space<vmem>>, vector<1x16xf32>,
        %get3A_406 = arith.index_cast %scan3A_70 : i32 to index
        %get3A_407 = arith.constant 384 : index
        %get3A_408 = tpu.vector_load %arg8[%get3A_406, %get3A_407] {strides = array<i32>} : memref<64x512xf32, #tpu.memory_space<vmem>>, vector<1x16xf32>,
        %get3A_409 = vector.shape_cast %get3A_408 : vector<1x16xf32> to vector<16xf32>
        %get3A_410 = arith.index_cast %rem3A_71 : i32 to index
        %get3A_411 = arith.constant 384 : index
        %get3A_412 = tpu.vector_load %arg7[%get3A_410, %get3A_411] {strides = array<i32>} : memref<16x512xf32, #tpu.memory_space<vmem>>, vector<1x16xf32>,
        %get3A_413 = vector.shape_cast %get3A_412 : vector<1x16xf32> to vector<16xf32>
        %add3A_414 = arith.addf %get3A_409, %get3A_413 : vector<16xf32>
        %swap3A_415 = arith.index_cast %scan3A_70 : i32 to index
        %swap3A_416 = arith.constant 384 : index
        %swap3A_417 = tpu.vector_load %arg8[%swap3A_415, %swap3A_416] {strides = array<i32>} : memref<64x512xf32, #tpu.memory_space<vmem>>, vector<1x16xf32>,
        %swap3A_418 = vector.shape_cast %swap3A_417 : vector<1x16xf32> to vector<16xf32>
        %swap3A_419 = vector.shape_cast %add3A_414 : vector<16xf32> to vector<1x16xf32>
        tpu.vector_store %arg8[%swap3A_415, %swap3A_416], %swap3A_419 {strides = array<i32>} : memref<64x512xf32, #tpu.memory_space<vmem>>, vector<1x16xf32>,
        %get3A_420 = arith.index_cast %scan3A_70 : i32 to index
        %get3A_421 = arith.constant 400 : index
        %get3A_422 = tpu.vector_load %arg8[%get3A_420, %get3A_421] {strides = array<i32>} : memref<64x512xf32, #tpu.memory_space<vmem>>, vector<1x16xf32>,
        %get3A_423 = vector.shape_cast %get3A_422 : vector<1x16xf32> to vector<16xf32>
        %get3A_424 = arith.index_cast %rem3A_71 : i32 to index
        %get3A_425 = arith.constant 400 : index
        %get3A_426 = tpu.vector_load %arg7[%get3A_424, %get3A_425] {strides = array<i32>} : memref<16x512xf32, #tpu.memory_space<vmem>>, vector<1x16xf32>,
        %get3A_427 = vector.shape_cast %get3A_426 : vector<1x16xf32> to vector<16xf32>
        %add3A_428 = arith.addf %get3A_423, %get3A_427 : vector<16xf32>
        %swap3A_429 = arith.index_cast %scan3A_70 : i32 to index
        %swap3A_430 = arith.constant 400 : index
        %swap3A_431 = tpu.vector_load %arg8[%swap3A_429, %swap3A_430] {strides = array<i32>} : memref<64x512xf32, #tpu.memory_space<vmem>>, vector<1x16xf32>,
        %swap3A_432 = vector.shape_cast %swap3A_431 : vector<1x16xf32> to vector<16xf32>
        %swap3A_433 = vector.shape_cast %add3A_428 : vector<16xf32> to vector<1x16xf32>
        tpu.vector_store %arg8[%swap3A_429, %swap3A_430], %swap3A_433 {strides = array<i32>} : memref<64x512xf32, #tpu.memory_space<vmem>>, vector<1x16xf32>,
        %get3A_434 = arith.index_cast %scan3A_70 : i32 to index
        %get3A_435 = arith.constant 416 : index
        %get3A_436 = tpu.vector_load %arg8[%get3A_434, %get3A_435] {strides = array<i32>} : memref<64x512xf32, #tpu.memory_space<vmem>>, vector<1x16xf32>,
        %get3A_437 = vector.shape_cast %get3A_436 : vector<1x16xf32> to vector<16xf32>
        %get3A_438 = arith.index_cast %rem3A_71 : i32 to index
        %get3A_439 = arith.constant 416 : index
        %get3A_440 = tpu.vector_load %arg7[%get3A_438, %get3A_439] {strides = array<i32>} : memref<16x512xf32, #tpu.memory_space<vmem>>, vector<1x16xf32>,
        %get3A_441 = vector.shape_cast %get3A_440 : vector<1x16xf32> to vector<16xf32>
        %add3A_442 = arith.addf %get3A_437, %get3A_441 : vector<16xf32>
        %swap3A_443 = arith.index_cast %scan3A_70 : i32 to index
        %swap3A_444 = arith.constant 416 : index
        %swap3A_445 = tpu.vector_load %arg8[%swap3A_443, %swap3A_444] {strides = array<i32>} : memref<64x512xf32, #tpu.memory_space<vmem>>, vector<1x16xf32>,
        %swap3A_446 = vector.shape_cast %swap3A_445 : vector<1x16xf32> to vector<16xf32>
        %swap3A_447 = vector.shape_cast %add3A_442 : vector<16xf32> to vector<1x16xf32>
        tpu.vector_store %arg8[%swap3A_443, %swap3A_444], %swap3A_447 {strides = array<i32>} : memref<64x512xf32, #tpu.memory_space<vmem>>, vector<1x16xf32>,
        %get3A_448 = arith.index_cast %scan3A_70 : i32 to index
        %get3A_449 = arith.constant 432 : index
        %get3A_450 = tpu.vector_load %arg8[%get3A_448, %get3A_449] {strides = array<i32>} : memref<64x512xf32, #tpu.memory_space<vmem>>, vector<1x16xf32>,
        %get3A_451 = vector.shape_cast %get3A_450 : vector<1x16xf32> to vector<16xf32>
        %get3A_452 = arith.index_cast %rem3A_71 : i32 to index
        %get3A_453 = arith.constant 432 : index
        %get3A_454 = tpu.vector_load %arg7[%get3A_452, %get3A_453] {strides = array<i32>} : memref<16x512xf32, #tpu.memory_space<vmem>>, vector<1x16xf32>,
        %get3A_455 = vector.shape_cast %get3A_454 : vector<1x16xf32> to vector<16xf32>
        %add3A_456 = arith.addf %get3A_451, %get3A_455 : vector<16xf32>
        %swap3A_457 = arith.index_cast %scan3A_70 : i32 to index
        %swap3A_458 = arith.constant 432 : index
        %swap3A_459 = tpu.vector_load %arg8[%swap3A_457, %swap3A_458] {strides = array<i32>} : memref<64x512xf32, #tpu.memory_space<vmem>>, vector<1x16xf32>,
        %swap3A_460 = vector.shape_cast %swap3A_459 : vector<1x16xf32> to vector<16xf32>
        %swap3A_461 = vector.shape_cast %add3A_456 : vector<16xf32> to vector<1x16xf32>
        tpu.vector_store %arg8[%swap3A_457, %swap3A_458], %swap3A_461 {strides = array<i32>} : memref<64x512xf32, #tpu.memory_space<vmem>>, vector<1x16xf32>,
        %get3A_462 = arith.index_cast %scan3A_70 : i32 to index
        %get3A_463 = arith.constant 448 : index
        %get3A_464 = tpu.vector_load %arg8[%get3A_462, %get3A_463] {strides = array<i32>} : memref<64x512xf32, #tpu.memory_space<vmem>>, vector<1x16xf32>,
        %get3A_465 = vector.shape_cast %get3A_464 : vector<1x16xf32> to vector<16xf32>
        %get3A_466 = arith.index_cast %rem3A_71 : i32 to index
        %get3A_467 = arith.constant 448 : index
        %get3A_468 = tpu.vector_load %arg7[%get3A_466, %get3A_467] {strides = array<i32>} : memref<16x512xf32, #tpu.memory_space<vmem>>, vector<1x16xf32>,
        %get3A_469 = vector.shape_cast %get3A_468 : vector<1x16xf32> to vector<16xf32>
        %add3A_470 = arith.addf %get3A_465, %get3A_469 : vector<16xf32>
        %swap3A_471 = arith.index_cast %scan3A_70 : i32 to index
        %swap3A_472 = arith.constant 448 : index
        %swap3A_473 = tpu.vector_load %arg8[%swap3A_471, %swap3A_472] {strides = array<i32>} : memref<64x512xf32, #tpu.memory_space<vmem>>, vector<1x16xf32>,
        %swap3A_474 = vector.shape_cast %swap3A_473 : vector<1x16xf32> to vector<16xf32>
        %swap3A_475 = vector.shape_cast %add3A_470 : vector<16xf32> to vector<1x16xf32>
        tpu.vector_store %arg8[%swap3A_471, %swap3A_472], %swap3A_475 {strides = array<i32>} : memref<64x512xf32, #tpu.memory_space<vmem>>, vector<1x16xf32>,
        %get3A_476 = arith.index_cast %scan3A_70 : i32 to index
        %get3A_477 = arith.constant 464 : index
        %get3A_478 = tpu.vector_load %arg8[%get3A_476, %get3A_477] {strides = array<i32>} : memref<64x512xf32, #tpu.memory_space<vmem>>, vector<1x16xf32>,
        %get3A_479 = vector.shape_cast %get3A_478 : vector<1x16xf32> to vector<16xf32>
        %get3A_480 = arith.index_cast %rem3A_71 : i32 to index
        %get3A_481 = arith.constant 464 : index
        %get3A_482 = tpu.vector_load %arg7[%get3A_480, %get3A_481] {strides = array<i32>} : memref<16x512xf32, #tpu.memory_space<vmem>>, vector<1x16xf32>,
        %get3A_483 = vector.shape_cast %get3A_482 : vector<1x16xf32> to vector<16xf32>
        %add3A_484 = arith.addf %get3A_479, %get3A_483 : vector<16xf32>
        %swap3A_485 = arith.index_cast %scan3A_70 : i32 to index
        %swap3A_486 = arith.constant 464 : index
        %swap3A_487 = tpu.vector_load %arg8[%swap3A_485, %swap3A_486] {strides = array<i32>} : memref<64x512xf32, #tpu.memory_space<vmem>>, vector<1x16xf32>,
        %swap3A_488 = vector.shape_cast %swap3A_487 : vector<1x16xf32> to vector<16xf32>
        %swap3A_489 = vector.shape_cast %add3A_484 : vector<16xf32> to vector<1x16xf32>
        tpu.vector_store %arg8[%swap3A_485, %swap3A_486], %swap3A_489 {strides = array<i32>} : memref<64x512xf32, #tpu.memory_space<vmem>>, vector<1x16xf32>,
        %get3A_490 = arith.index_cast %scan3A_70 : i32 to index
        %get3A_491 = arith.constant 480 : index
        %get3A_492 = tpu.vector_load %arg8[%get3A_490, %get3A_491] {strides = array<i32>} : memref<64x512xf32, #tpu.memory_space<vmem>>, vector<1x16xf32>,
        %get3A_493 = vector.shape_cast %get3A_492 : vector<1x16xf32> to vector<16xf32>
        %get3A_494 = arith.index_cast %rem3A_71 : i32 to index
        %get3A_495 = arith.constant 480 : index
        %get3A_496 = tpu.vector_load %arg7[%get3A_494, %get3A_495] {strides = array<i32>} : memref<16x512xf32, #tpu.memory_space<vmem>>, vector<1x16xf32>,
        %get3A_497 = vector.shape_cast %get3A_496 : vector<1x16xf32> to vector<16xf32>
        %add3A_498 = arith.addf %get3A_493, %get3A_497 : vector<16xf32>
        %swap3A_499 = arith.index_cast %scan3A_70 : i32 to index
        %swap3A_500 = arith.constant 480 : index
        %swap3A_501 = tpu.vector_load %arg8[%swap3A_499, %swap3A_500] {strides = array<i32>} : memref<64x512xf32, #tpu.memory_space<vmem>>, vector<1x16xf32>,
        %swap3A_502 = vector.shape_cast %swap3A_501 : vector<1x16xf32> to vector<16xf32>
        %swap3A_503 = vector.shape_cast %add3A_498 : vector<16xf32> to vector<1x16xf32>
        tpu.vector_store %arg8[%swap3A_499, %swap3A_500], %swap3A_503 {strides = array<i32>} : memref<64x512xf32, #tpu.memory_space<vmem>>, vector<1x16xf32>,
        %get3A_504 = arith.index_cast %scan3A_70 : i32 to index
        %get3A_505 = arith.constant 496 : index
        %get3A_506 = tpu.vector_load %arg8[%get3A_504, %get3A_505] {strides = array<i32>} : memref<64x512xf32, #tpu.memory_space<vmem>>, vector<1x16xf32>,
        %get3A_507 = vector.shape_cast %get3A_506 : vector<1x16xf32> to vector<16xf32>
        %get3A_508 = arith.index_cast %rem3A_71 : i32 to index
        %get3A_509 = arith.constant 496 : index
        %get3A_510 = tpu.vector_load %arg7[%get3A_508, %get3A_509] {strides = array<i32>} : memref<16x512xf32, #tpu.memory_space<vmem>>, vector<1x16xf32>,
        %get3A_511 = vector.shape_cast %get3A_510 : vector<1x16xf32> to vector<16xf32>
        %add3A_512 = arith.addf %get3A_507, %get3A_511 : vector<16xf32>
        %swap3A_513 = arith.index_cast %scan3A_70 : i32 to index
        %swap3A_514 = arith.constant 496 : index
        %swap3A_515 = tpu.vector_load %arg8[%swap3A_513, %swap3A_514] {strides = array<i32>} : memref<64x512xf32, #tpu.memory_space<vmem>>, vector<1x16xf32>,
        %swap3A_516 = vector.shape_cast %swap3A_515 : vector<1x16xf32> to vector<16xf32>
        %swap3A_517 = vector.shape_cast %add3A_512 : vector<16xf32> to vector<1x16xf32>
        tpu.vector_store %arg8[%swap3A_513, %swap3A_514], %swap3A_517 {strides = array<i32>} : memref<64x512xf32, #tpu.memory_space<vmem>>, vector<1x16xf32>,
      }
      %scan3A_38 = arith.constant 64 : i32
      %mul3A_39 = arith.constant 64 : i32
      %mul3A_40 = arith.muli %add3A_27, %mul3A_39 : i32
      %add3A_41 = arith.addi %mul3A_2, %mul3A_40 : i32
      "tpu.region"() ({
        %run_scoped3A = tpu.sem_alloc : memref<!tpu.dma_semaphore, #tpu.memory_space<semaphore_mem>>
        %dma_start3A_70 = arith.constant 0 : i32
        %dma_start3A_71 = tpu.memref_slice %arg5[%add3A_41, %dma_start3A_70] : memref<262144x512xf32, #tpu.memory_space<hbm>> -> memref<64x512xf32, #tpu.memory_space<hbm>>
        %dma_start3A_72 = arith.constant 0 : i32
        %dma_start3A_73 = tpu.memref_slice %arg5[%add3A_41, %dma_start3A_72] : memref<262144x512xf32, #tpu.memory_space<hbm>> -> memref<64x512xf32, #tpu.memory_space<hbm>>
        tpu.enqueue_dma source(%arg8 : memref<64x512xf32, #tpu.memory_space<vmem>>) target(%dma_start3A_73 : memref<64x512xf32, #tpu.memory_space<hbm>>) target_semaphore(%run_scoped3A : memref<!tpu.dma_semaphore, #tpu.memory_space<semaphore_mem>>)
        %dma_wait3A_74 = arith.constant 0 : i32
        %dma_wait3A_75 = tpu.memref_slice %arg5[%add3A_41, %dma_wait3A_74] : memref<262144x512xf32, #tpu.memory_space<hbm>> -> memref<64x512xf32, #tpu.memory_space<hbm>>
        %dma_wait3A_76 = arith.constant 0 : i32
        %dma_wait3A_77 = tpu.memref_slice %arg5[%add3A_41, %dma_wait3A_76] : memref<262144x512xf32, #tpu.memory_space<hbm>> -> memref<64x512xf32, #tpu.memory_space<hbm>>
        tpu.wait_dma2 semaphore(%run_scoped3A : memref<!tpu.dma_semaphore, #tpu.memory_space<semaphore_mem>>) src(%arg8 : memref<64x512xf32, #tpu.memory_space<vmem>>) dst(%dma_wait3A_77 : memref<64x512xf32, #tpu.memory_space<hbm>>)
        tpu.yield
      }) : () -> ()
      %add3A_42 = arith.constant 2 : i32
      %add3A_43 = arith.addi %add3A_27, %add3A_42 : i32
      %lt3A = arith.constant 128 : i32
      %lt3A_44 = arith.cmpi slt, %add3A_43, %lt3A : i32
      %convert_element_type3A = arith.extui %lt3A_44 : i1 to i32
      %cond3A = arith.constant 0 : i32
      %cond3A_45 = arith.cmpi ne, %convert_element_type3A, %cond3A : i32
      scf.if %cond3A_45 {
        %dma_start3A_70 = arith.constant 0 : i32
        %dma_start3A_71 = tpu.memref_slice %arg6[%add3A_43, %dma_start3A_70] : memref<128x64xi32, #tpu.memory_space<vmem>> -> memref<1x64xi32, #tpu.memory_space<vmem>>
        %dma_start3A_72 = tpu.memref_squeeze %dma_start3A_71 : memref<1x64xi32, #tpu.memory_space<vmem>> -> memref<64xi32, #tpu.memory_space<vmem>>
        %dma_start3A_73 = arith.constant 0 : i32
        %dma_start3A_74 = arith.constant 0 : i32
        %dma_start3A_75 = tpu.memref_slice %arg4[%dma_start3A_73, %dma_start3A_74] : memref<49408x512xf32, #tpu.memory_space<hbm>> -> memref<49408x512xf32, #tpu.memory_space<hbm>>
        tpu.enqueue_indirect_dma source(%dma_start3A_75 : memref<49408x512xf32, #tpu.memory_space<hbm>>) target(%arg8 : memref<64x512xf32, #tpu.memory_space<vmem>>) offsets(%dma_start3A_72 : memref<64xi32, #tpu.memory_space<vmem>>) semaphore(%arg10 : memref<!tpu.dma_semaphore, #tpu.memory_space<semaphore_mem>>)
      } else {
      }
      %add3A_46 = arith.constant 1 : i32
      %add3A_47 = arith.addi %mul3A_25, %add3A_46 : i32
      %dma_wait3A_48 = arith.constant 0 : i32
      %dma_wait3A_49 = tpu.memref_slice %arg6[%add3A_47, %dma_wait3A_48] : memref<128x64xi32, #tpu.memory_space<vmem>> -> memref<1x64xi32, #tpu.memory_space<vmem>>
      %dma_wait3A_50 = tpu.memref_squeeze %dma_wait3A_49 : memref<1x64xi32, #tpu.memory_space<vmem>> -> memref<64xi32, #tpu.memory_space<vmem>>
      %dma_wait3A_51 = arith.constant 0 : i32
      %dma_wait3A_52 = arith.constant 0 : i32
      %dma_wait3A_53 = tpu.memref_slice %arg4[%dma_wait3A_51, %dma_wait3A_52] : memref<49408x512xf32, #tpu.memory_space<hbm>> -> memref<49408x512xf32, #tpu.memory_space<hbm>>
      tpu.wait_indirect_dma semaphore(%arg11 : memref<!tpu.dma_semaphore, #tpu.memory_space<semaphore_mem>>) src(%dma_wait3A_53 : memref<49408x512xf32, #tpu.memory_space<hbm>>) dst(%arg9 : memref<64x512xf32, #tpu.memory_space<vmem>>)
      %scan3A_54 = arith.constant 0 : i32
      %scan3A_55 = arith.constant 0 : i32
      %scan3A_56 = arith.constant 64 : i32
      %scan3A_57 = arith.addi %scan3A_55, %scan3A_56 : i32
      %scan3A_58 = arith.constant 1 : i32
      scf.for %scan3A_70 = %scan3A_55 to %scan3A_57 step %scan3A_58  : i32 {
        %rem3A = arith.constant 16 : i32
        %rem3A_71 = arith.remsi %scan3A_70, %rem3A : i32
        %get3A = arith.index_cast %scan3A_70 : i32 to index
        %get3A_72 = arith.constant 0 : index
        %get3A_73 = tpu.vector_load %arg9[%get3A, %get3A_72] {strides = array<i32>} : memref<64x512xf32, #tpu.memory_space<vmem>>, vector<1x16xf32>,
        %get3A_74 = vector.shape_cast %get3A_73 : vector<1x16xf32> to vector<16xf32>
        %get3A_75 = arith.index_cast %rem3A_71 : i32 to index
        %get3A_76 = arith.constant 0 : index
        %get3A_77 = tpu.vector_load %arg7[%get3A_75, %get3A_76] {strides = array<i32>} : memref<16x512xf32, #tpu.memory_space<vmem>>, vector<1x16xf32>,
        %get3A_78 = vector.shape_cast %get3A_77 : vector<1x16xf32> to vector<16xf32>
        %add3A_79 = arith.addf %get3A_74, %get3A_78 : vector<16xf32>
        %swap3A = arith.index_cast %scan3A_70 : i32 to index
        %swap3A_80 = arith.constant 0 : index
        %swap3A_81 = tpu.vector_load %arg9[%swap3A, %swap3A_80] {strides = array<i32>} : memref<64x512xf32, #tpu.memory_space<vmem>>, vector<1x16xf32>,
        %swap3A_82 = vector.shape_cast %swap3A_81 : vector<1x16xf32> to vector<16xf32>
        %swap3A_83 = vector.shape_cast %add3A_79 : vector<16xf32> to vector<1x16xf32>
        tpu.vector_store %arg9[%swap3A, %swap3A_80], %swap3A_83 {strides = array<i32>} : memref<64x512xf32, #tpu.memory_space<vmem>>, vector<1x16xf32>,
        %get3A_84 = arith.index_cast %scan3A_70 : i32 to index
        %get3A_85 = arith.constant 16 : index
        %get3A_86 = tpu.vector_load %arg9[%get3A_84, %get3A_85] {strides = array<i32>} : memref<64x512xf32, #tpu.memory_space<vmem>>, vector<1x16xf32>,
        %get3A_87 = vector.shape_cast %get3A_86 : vector<1x16xf32> to vector<16xf32>
        %get3A_88 = arith.index_cast %rem3A_71 : i32 to index
        %get3A_89 = arith.constant 16 : index
        %get3A_90 = tpu.vector_load %arg7[%get3A_88, %get3A_89] {strides = array<i32>} : memref<16x512xf32, #tpu.memory_space<vmem>>, vector<1x16xf32>,
        %get3A_91 = vector.shape_cast %get3A_90 : vector<1x16xf32> to vector<16xf32>
        %add3A_92 = arith.addf %get3A_87, %get3A_91 : vector<16xf32>
        %swap3A_93 = arith.index_cast %scan3A_70 : i32 to index
        %swap3A_94 = arith.constant 16 : index
        %swap3A_95 = tpu.vector_load %arg9[%swap3A_93, %swap3A_94] {strides = array<i32>} : memref<64x512xf32, #tpu.memory_space<vmem>>, vector<1x16xf32>,
        %swap3A_96 = vector.shape_cast %swap3A_95 : vector<1x16xf32> to vector<16xf32>
        %swap3A_97 = vector.shape_cast %add3A_92 : vector<16xf32> to vector<1x16xf32>
        tpu.vector_store %arg9[%swap3A_93, %swap3A_94], %swap3A_97 {strides = array<i32>} : memref<64x512xf32, #tpu.memory_space<vmem>>, vector<1x16xf32>,
        %get3A_98 = arith.index_cast %scan3A_70 : i32 to index
        %get3A_99 = arith.constant 32 : index
        %get3A_100 = tpu.vector_load %arg9[%get3A_98, %get3A_99] {strides = array<i32>} : memref<64x512xf32, #tpu.memory_space<vmem>>, vector<1x16xf32>,
        %get3A_101 = vector.shape_cast %get3A_100 : vector<1x16xf32> to vector<16xf32>
        %get3A_102 = arith.index_cast %rem3A_71 : i32 to index
        %get3A_103 = arith.constant 32 : index
        %get3A_104 = tpu.vector_load %arg7[%get3A_102, %get3A_103] {strides = array<i32>} : memref<16x512xf32, #tpu.memory_space<vmem>>, vector<1x16xf32>,
        %get3A_105 = vector.shape_cast %get3A_104 : vector<1x16xf32> to vector<16xf32>
        %add3A_106 = arith.addf %get3A_101, %get3A_105 : vector<16xf32>
        %swap3A_107 = arith.index_cast %scan3A_70 : i32 to index
        %swap3A_108 = arith.constant 32 : index
        %swap3A_109 = tpu.vector_load %arg9[%swap3A_107, %swap3A_108] {strides = array<i32>} : memref<64x512xf32, #tpu.memory_space<vmem>>, vector<1x16xf32>,
        %swap3A_110 = vector.shape_cast %swap3A_109 : vector<1x16xf32> to vector<16xf32>
        %swap3A_111 = vector.shape_cast %add3A_106 : vector<16xf32> to vector<1x16xf32>
        tpu.vector_store %arg9[%swap3A_107, %swap3A_108], %swap3A_111 {strides = array<i32>} : memref<64x512xf32, #tpu.memory_space<vmem>>, vector<1x16xf32>,
        %get3A_112 = arith.index_cast %scan3A_70 : i32 to index
        %get3A_113 = arith.constant 48 : index
        %get3A_114 = tpu.vector_load %arg9[%get3A_112, %get3A_113] {strides = array<i32>} : memref<64x512xf32, #tpu.memory_space<vmem>>, vector<1x16xf32>,
        %get3A_115 = vector.shape_cast %get3A_114 : vector<1x16xf32> to vector<16xf32>
        %get3A_116 = arith.index_cast %rem3A_71 : i32 to index
        %get3A_117 = arith.constant 48 : index
        %get3A_118 = tpu.vector_load %arg7[%get3A_116, %get3A_117] {strides = array<i32>} : memref<16x512xf32, #tpu.memory_space<vmem>>, vector<1x16xf32>,
        %get3A_119 = vector.shape_cast %get3A_118 : vector<1x16xf32> to vector<16xf32>
        %add3A_120 = arith.addf %get3A_115, %get3A_119 : vector<16xf32>
        %swap3A_121 = arith.index_cast %scan3A_70 : i32 to index
        %swap3A_122 = arith.constant 48 : index
        %swap3A_123 = tpu.vector_load %arg9[%swap3A_121, %swap3A_122] {strides = array<i32>} : memref<64x512xf32, #tpu.memory_space<vmem>>, vector<1x16xf32>,
        %swap3A_124 = vector.shape_cast %swap3A_123 : vector<1x16xf32> to vector<16xf32>
        %swap3A_125 = vector.shape_cast %add3A_120 : vector<16xf32> to vector<1x16xf32>
        tpu.vector_store %arg9[%swap3A_121, %swap3A_122], %swap3A_125 {strides = array<i32>} : memref<64x512xf32, #tpu.memory_space<vmem>>, vector<1x16xf32>,
        %get3A_126 = arith.index_cast %scan3A_70 : i32 to index
        %get3A_127 = arith.constant 64 : index
        %get3A_128 = tpu.vector_load %arg9[%get3A_126, %get3A_127] {strides = array<i32>} : memref<64x512xf32, #tpu.memory_space<vmem>>, vector<1x16xf32>,
        %get3A_129 = vector.shape_cast %get3A_128 : vector<1x16xf32> to vector<16xf32>
        %get3A_130 = arith.index_cast %rem3A_71 : i32 to index
        %get3A_131 = arith.constant 64 : index
        %get3A_132 = tpu.vector_load %arg7[%get3A_130, %get3A_131] {strides = array<i32>} : memref<16x512xf32, #tpu.memory_space<vmem>>, vector<1x16xf32>,
        %get3A_133 = vector.shape_cast %get3A_132 : vector<1x16xf32> to vector<16xf32>
        %add3A_134 = arith.addf %get3A_129, %get3A_133 : vector<16xf32>
        %swap3A_135 = arith.index_cast %scan3A_70 : i32 to index
        %swap3A_136 = arith.constant 64 : index
        %swap3A_137 = tpu.vector_load %arg9[%swap3A_135, %swap3A_136] {strides = array<i32>} : memref<64x512xf32, #tpu.memory_space<vmem>>, vector<1x16xf32>,
        %swap3A_138 = vector.shape_cast %swap3A_137 : vector<1x16xf32> to vector<16xf32>
        %swap3A_139 = vector.shape_cast %add3A_134 : vector<16xf32> to vector<1x16xf32>
        tpu.vector_store %arg9[%swap3A_135, %swap3A_136], %swap3A_139 {strides = array<i32>} : memref<64x512xf32, #tpu.memory_space<vmem>>, vector<1x16xf32>,
        %get3A_140 = arith.index_cast %scan3A_70 : i32 to index
        %get3A_141 = arith.constant 80 : index
        %get3A_142 = tpu.vector_load %arg9[%get3A_140, %get3A_141] {strides = array<i32>} : memref<64x512xf32, #tpu.memory_space<vmem>>, vector<1x16xf32>,
        %get3A_143 = vector.shape_cast %get3A_142 : vector<1x16xf32> to vector<16xf32>
        %get3A_144 = arith.index_cast %rem3A_71 : i32 to index
        %get3A_145 = arith.constant 80 : index
        %get3A_146 = tpu.vector_load %arg7[%get3A_144, %get3A_145] {strides = array<i32>} : memref<16x512xf32, #tpu.memory_space<vmem>>, vector<1x16xf32>,
        %get3A_147 = vector.shape_cast %get3A_146 : vector<1x16xf32> to vector<16xf32>
        %add3A_148 = arith.addf %get3A_143, %get3A_147 : vector<16xf32>
        %swap3A_149 = arith.index_cast %scan3A_70 : i32 to index
        %swap3A_150 = arith.constant 80 : index
        %swap3A_151 = tpu.vector_load %arg9[%swap3A_149, %swap3A_150] {strides = array<i32>} : memref<64x512xf32, #tpu.memory_space<vmem>>, vector<1x16xf32>,
        %swap3A_152 = vector.shape_cast %swap3A_151 : vector<1x16xf32> to vector<16xf32>
        %swap3A_153 = vector.shape_cast %add3A_148 : vector<16xf32> to vector<1x16xf32>
        tpu.vector_store %arg9[%swap3A_149, %swap3A_150], %swap3A_153 {strides = array<i32>} : memref<64x512xf32, #tpu.memory_space<vmem>>, vector<1x16xf32>,
        %get3A_154 = arith.index_cast %scan3A_70 : i32 to index
        %get3A_155 = arith.constant 96 : index
        %get3A_156 = tpu.vector_load %arg9[%get3A_154, %get3A_155] {strides = array<i32>} : memref<64x512xf32, #tpu.memory_space<vmem>>, vector<1x16xf32>,
        %get3A_157 = vector.shape_cast %get3A_156 : vector<1x16xf32> to vector<16xf32>
        %get3A_158 = arith.index_cast %rem3A_71 : i32 to index
        %get3A_159 = arith.constant 96 : index
        %get3A_160 = tpu.vector_load %arg7[%get3A_158, %get3A_159] {strides = array<i32>} : memref<16x512xf32, #tpu.memory_space<vmem>>, vector<1x16xf32>,
        %get3A_161 = vector.shape_cast %get3A_160 : vector<1x16xf32> to vector<16xf32>
        %add3A_162 = arith.addf %get3A_157, %get3A_161 : vector<16xf32>
        %swap3A_163 = arith.index_cast %scan3A_70 : i32 to index
        %swap3A_164 = arith.constant 96 : index
        %swap3A_165 = tpu.vector_load %arg9[%swap3A_163, %swap3A_164] {strides = array<i32>} : memref<64x512xf32, #tpu.memory_space<vmem>>, vector<1x16xf32>,
        %swap3A_166 = vector.shape_cast %swap3A_165 : vector<1x16xf32> to vector<16xf32>
        %swap3A_167 = vector.shape_cast %add3A_162 : vector<16xf32> to vector<1x16xf32>
        tpu.vector_store %arg9[%swap3A_163, %swap3A_164], %swap3A_167 {strides = array<i32>} : memref<64x512xf32, #tpu.memory_space<vmem>>, vector<1x16xf32>,
        %get3A_168 = arith.index_cast %scan3A_70 : i32 to index
        %get3A_169 = arith.constant 112 : index
        %get3A_170 = tpu.vector_load %arg9[%get3A_168, %get3A_169] {strides = array<i32>} : memref<64x512xf32, #tpu.memory_space<vmem>>, vector<1x16xf32>,
        %get3A_171 = vector.shape_cast %get3A_170 : vector<1x16xf32> to vector<16xf32>
        %get3A_172 = arith.index_cast %rem3A_71 : i32 to index
        %get3A_173 = arith.constant 112 : index
        %get3A_174 = tpu.vector_load %arg7[%get3A_172, %get3A_173] {strides = array<i32>} : memref<16x512xf32, #tpu.memory_space<vmem>>, vector<1x16xf32>,
        %get3A_175 = vector.shape_cast %get3A_174 : vector<1x16xf32> to vector<16xf32>
        %add3A_176 = arith.addf %get3A_171, %get3A_175 : vector<16xf32>
        %swap3A_177 = arith.index_cast %scan3A_70 : i32 to index
        %swap3A_178 = arith.constant 112 : index
        %swap3A_179 = tpu.vector_load %arg9[%swap3A_177, %swap3A_178] {strides = array<i32>} : memref<64x512xf32, #tpu.memory_space<vmem>>, vector<1x16xf32>,
        %swap3A_180 = vector.shape_cast %swap3A_179 : vector<1x16xf32> to vector<16xf32>
        %swap3A_181 = vector.shape_cast %add3A_176 : vector<16xf32> to vector<1x16xf32>
        tpu.vector_store %arg9[%swap3A_177, %swap3A_178], %swap3A_181 {strides = array<i32>} : memref<64x512xf32, #tpu.memory_space<vmem>>, vector<1x16xf32>,
        %get3A_182 = arith.index_cast %scan3A_70 : i32 to index
        %get3A_183 = arith.constant 128 : index
        %get3A_184 = tpu.vector_load %arg9[%get3A_182, %get3A_183] {strides = array<i32>} : memref<64x512xf32, #tpu.memory_space<vmem>>, vector<1x16xf32>,
        %get3A_185 = vector.shape_cast %get3A_184 : vector<1x16xf32> to vector<16xf32>
        %get3A_186 = arith.index_cast %rem3A_71 : i32 to index
        %get3A_187 = arith.constant 128 : index
        %get3A_188 = tpu.vector_load %arg7[%get3A_186, %get3A_187] {strides = array<i32>} : memref<16x512xf32, #tpu.memory_space<vmem>>, vector<1x16xf32>,
        %get3A_189 = vector.shape_cast %get3A_188 : vector<1x16xf32> to vector<16xf32>
        %add3A_190 = arith.addf %get3A_185, %get3A_189 : vector<16xf32>
        %swap3A_191 = arith.index_cast %scan3A_70 : i32 to index
        %swap3A_192 = arith.constant 128 : index
        %swap3A_193 = tpu.vector_load %arg9[%swap3A_191, %swap3A_192] {strides = array<i32>} : memref<64x512xf32, #tpu.memory_space<vmem>>, vector<1x16xf32>,
        %swap3A_194 = vector.shape_cast %swap3A_193 : vector<1x16xf32> to vector<16xf32>
        %swap3A_195 = vector.shape_cast %add3A_190 : vector<16xf32> to vector<1x16xf32>
        tpu.vector_store %arg9[%swap3A_191, %swap3A_192], %swap3A_195 {strides = array<i32>} : memref<64x512xf32, #tpu.memory_space<vmem>>, vector<1x16xf32>,
        %get3A_196 = arith.index_cast %scan3A_70 : i32 to index
        %get3A_197 = arith.constant 144 : index
        %get3A_198 = tpu.vector_load %arg9[%get3A_196, %get3A_197] {strides = array<i32>} : memref<64x512xf32, #tpu.memory_space<vmem>>, vector<1x16xf32>,
        %get3A_199 = vector.shape_cast %get3A_198 : vector<1x16xf32> to vector<16xf32>
        %get3A_200 = arith.index_cast %rem3A_71 : i32 to index
        %get3A_201 = arith.constant 144 : index
        %get3A_202 = tpu.vector_load %arg7[%get3A_200, %get3A_201] {strides = array<i32>} : memref<16x512xf32, #tpu.memory_space<vmem>>, vector<1x16xf32>,
        %get3A_203 = vector.shape_cast %get3A_202 : vector<1x16xf32> to vector<16xf32>
        %add3A_204 = arith.addf %get3A_199, %get3A_203 : vector<16xf32>
        %swap3A_205 = arith.index_cast %scan3A_70 : i32 to index
        %swap3A_206 = arith.constant 144 : index
        %swap3A_207 = tpu.vector_load %arg9[%swap3A_205, %swap3A_206] {strides = array<i32>} : memref<64x512xf32, #tpu.memory_space<vmem>>, vector<1x16xf32>,
        %swap3A_208 = vector.shape_cast %swap3A_207 : vector<1x16xf32> to vector<16xf32>
        %swap3A_209 = vector.shape_cast %add3A_204 : vector<16xf32> to vector<1x16xf32>
        tpu.vector_store %arg9[%swap3A_205, %swap3A_206], %swap3A_209 {strides = array<i32>} : memref<64x512xf32, #tpu.memory_space<vmem>>, vector<1x16xf32>,
        %get3A_210 = arith.index_cast %scan3A_70 : i32 to index
        %get3A_211 = arith.constant 160 : index
        %get3A_212 = tpu.vector_load %arg9[%get3A_210, %get3A_211] {strides = array<i32>} : memref<64x512xf32, #tpu.memory_space<vmem>>, vector<1x16xf32>,
        %get3A_213 = vector.shape_cast %get3A_212 : vector<1x16xf32> to vector<16xf32>
        %get3A_214 = arith.index_cast %rem3A_71 : i32 to index
        %get3A_215 = arith.constant 160 : index
        %get3A_216 = tpu.vector_load %arg7[%get3A_214, %get3A_215] {strides = array<i32>} : memref<16x512xf32, #tpu.memory_space<vmem>>, vector<1x16xf32>,
        %get3A_217 = vector.shape_cast %get3A_216 : vector<1x16xf32> to vector<16xf32>
        %add3A_218 = arith.addf %get3A_213, %get3A_217 : vector<16xf32>
        %swap3A_219 = arith.index_cast %scan3A_70 : i32 to index
        %swap3A_220 = arith.constant 160 : index
        %swap3A_221 = tpu.vector_load %arg9[%swap3A_219, %swap3A_220] {strides = array<i32>} : memref<64x512xf32, #tpu.memory_space<vmem>>, vector<1x16xf32>,
        %swap3A_222 = vector.shape_cast %swap3A_221 : vector<1x16xf32> to vector<16xf32>
        %swap3A_223 = vector.shape_cast %add3A_218 : vector<16xf32> to vector<1x16xf32>
        tpu.vector_store %arg9[%swap3A_219, %swap3A_220], %swap3A_223 {strides = array<i32>} : memref<64x512xf32, #tpu.memory_space<vmem>>, vector<1x16xf32>,
        %get3A_224 = arith.index_cast %scan3A_70 : i32 to index
        %get3A_225 = arith.constant 176 : index
        %get3A_226 = tpu.vector_load %arg9[%get3A_224, %get3A_225] {strides = array<i32>} : memref<64x512xf32, #tpu.memory_space<vmem>>, vector<1x16xf32>,
        %get3A_227 = vector.shape_cast %get3A_226 : vector<1x16xf32> to vector<16xf32>
        %get3A_228 = arith.index_cast %rem3A_71 : i32 to index
        %get3A_229 = arith.constant 176 : index
        %get3A_230 = tpu.vector_load %arg7[%get3A_228, %get3A_229] {strides = array<i32>} : memref<16x512xf32, #tpu.memory_space<vmem>>, vector<1x16xf32>,
        %get3A_231 = vector.shape_cast %get3A_230 : vector<1x16xf32> to vector<16xf32>
        %add3A_232 = arith.addf %get3A_227, %get3A_231 : vector<16xf32>
        %swap3A_233 = arith.index_cast %scan3A_70 : i32 to index
        %swap3A_234 = arith.constant 176 : index
        %swap3A_235 = tpu.vector_load %arg9[%swap3A_233, %swap3A_234] {strides = array<i32>} : memref<64x512xf32, #tpu.memory_space<vmem>>, vector<1x16xf32>,
        %swap3A_236 = vector.shape_cast %swap3A_235 : vector<1x16xf32> to vector<16xf32>
        %swap3A_237 = vector.shape_cast %add3A_232 : vector<16xf32> to vector<1x16xf32>
        tpu.vector_store %arg9[%swap3A_233, %swap3A_234], %swap3A_237 {strides = array<i32>} : memref<64x512xf32, #tpu.memory_space<vmem>>, vector<1x16xf32>,
        %get3A_238 = arith.index_cast %scan3A_70 : i32 to index
        %get3A_239 = arith.constant 192 : index
        %get3A_240 = tpu.vector_load %arg9[%get3A_238, %get3A_239] {strides = array<i32>} : memref<64x512xf32, #tpu.memory_space<vmem>>, vector<1x16xf32>,
        %get3A_241 = vector.shape_cast %get3A_240 : vector<1x16xf32> to vector<16xf32>
        %get3A_242 = arith.index_cast %rem3A_71 : i32 to index
        %get3A_243 = arith.constant 192 : index
        %get3A_244 = tpu.vector_load %arg7[%get3A_242, %get3A_243] {strides = array<i32>} : memref<16x512xf32, #tpu.memory_space<vmem>>, vector<1x16xf32>,
        %get3A_245 = vector.shape_cast %get3A_244 : vector<1x16xf32> to vector<16xf32>
        %add3A_246 = arith.addf %get3A_241, %get3A_245 : vector<16xf32>
        %swap3A_247 = arith.index_cast %scan3A_70 : i32 to index
        %swap3A_248 = arith.constant 192 : index
        %swap3A_249 = tpu.vector_load %arg9[%swap3A_247, %swap3A_248] {strides = array<i32>} : memref<64x512xf32, #tpu.memory_space<vmem>>, vector<1x16xf32>,
        %swap3A_250 = vector.shape_cast %swap3A_249 : vector<1x16xf32> to vector<16xf32>
        %swap3A_251 = vector.shape_cast %add3A_246 : vector<16xf32> to vector<1x16xf32>
        tpu.vector_store %arg9[%swap3A_247, %swap3A_248], %swap3A_251 {strides = array<i32>} : memref<64x512xf32, #tpu.memory_space<vmem>>, vector<1x16xf32>,
        %get3A_252 = arith.index_cast %scan3A_70 : i32 to index
        %get3A_253 = arith.constant 208 : index
        %get3A_254 = tpu.vector_load %arg9[%get3A_252, %get3A_253] {strides = array<i32>} : memref<64x512xf32, #tpu.memory_space<vmem>>, vector<1x16xf32>,
        %get3A_255 = vector.shape_cast %get3A_254 : vector<1x16xf32> to vector<16xf32>
        %get3A_256 = arith.index_cast %rem3A_71 : i32 to index
        %get3A_257 = arith.constant 208 : index
        %get3A_258 = tpu.vector_load %arg7[%get3A_256, %get3A_257] {strides = array<i32>} : memref<16x512xf32, #tpu.memory_space<vmem>>, vector<1x16xf32>,
        %get3A_259 = vector.shape_cast %get3A_258 : vector<1x16xf32> to vector<16xf32>
        %add3A_260 = arith.addf %get3A_255, %get3A_259 : vector<16xf32>
        %swap3A_261 = arith.index_cast %scan3A_70 : i32 to index
        %swap3A_262 = arith.constant 208 : index
        %swap3A_263 = tpu.vector_load %arg9[%swap3A_261, %swap3A_262] {strides = array<i32>} : memref<64x512xf32, #tpu.memory_space<vmem>>, vector<1x16xf32>,
        %swap3A_264 = vector.shape_cast %swap3A_263 : vector<1x16xf32> to vector<16xf32>
        %swap3A_265 = vector.shape_cast %add3A_260 : vector<16xf32> to vector<1x16xf32>
        tpu.vector_store %arg9[%swap3A_261, %swap3A_262], %swap3A_265 {strides = array<i32>} : memref<64x512xf32, #tpu.memory_space<vmem>>, vector<1x16xf32>,
        %get3A_266 = arith.index_cast %scan3A_70 : i32 to index
        %get3A_267 = arith.constant 224 : index
        %get3A_268 = tpu.vector_load %arg9[%get3A_266, %get3A_267] {strides = array<i32>} : memref<64x512xf32, #tpu.memory_space<vmem>>, vector<1x16xf32>,
        %get3A_269 = vector.shape_cast %get3A_268 : vector<1x16xf32> to vector<16xf32>
        %get3A_270 = arith.index_cast %rem3A_71 : i32 to index
        %get3A_271 = arith.constant 224 : index
        %get3A_272 = tpu.vector_load %arg7[%get3A_270, %get3A_271] {strides = array<i32>} : memref<16x512xf32, #tpu.memory_space<vmem>>, vector<1x16xf32>,
        %get3A_273 = vector.shape_cast %get3A_272 : vector<1x16xf32> to vector<16xf32>
        %add3A_274 = arith.addf %get3A_269, %get3A_273 : vector<16xf32>
        %swap3A_275 = arith.index_cast %scan3A_70 : i32 to index
        %swap3A_276 = arith.constant 224 : index
        %swap3A_277 = tpu.vector_load %arg9[%swap3A_275, %swap3A_276] {strides = array<i32>} : memref<64x512xf32, #tpu.memory_space<vmem>>, vector<1x16xf32>,
        %swap3A_278 = vector.shape_cast %swap3A_277 : vector<1x16xf32> to vector<16xf32>
        %swap3A_279 = vector.shape_cast %add3A_274 : vector<16xf32> to vector<1x16xf32>
        tpu.vector_store %arg9[%swap3A_275, %swap3A_276], %swap3A_279 {strides = array<i32>} : memref<64x512xf32, #tpu.memory_space<vmem>>, vector<1x16xf32>,
        %get3A_280 = arith.index_cast %scan3A_70 : i32 to index
        %get3A_281 = arith.constant 240 : index
        %get3A_282 = tpu.vector_load %arg9[%get3A_280, %get3A_281] {strides = array<i32>} : memref<64x512xf32, #tpu.memory_space<vmem>>, vector<1x16xf32>,
        %get3A_283 = vector.shape_cast %get3A_282 : vector<1x16xf32> to vector<16xf32>
        %get3A_284 = arith.index_cast %rem3A_71 : i32 to index
        %get3A_285 = arith.constant 240 : index
        %get3A_286 = tpu.vector_load %arg7[%get3A_284, %get3A_285] {strides = array<i32>} : memref<16x512xf32, #tpu.memory_space<vmem>>, vector<1x16xf32>,
        %get3A_287 = vector.shape_cast %get3A_286 : vector<1x16xf32> to vector<16xf32>
        %add3A_288 = arith.addf %get3A_283, %get3A_287 : vector<16xf32>
        %swap3A_289 = arith.index_cast %scan3A_70 : i32 to index
        %swap3A_290 = arith.constant 240 : index
        %swap3A_291 = tpu.vector_load %arg9[%swap3A_289, %swap3A_290] {strides = array<i32>} : memref<64x512xf32, #tpu.memory_space<vmem>>, vector<1x16xf32>,
        %swap3A_292 = vector.shape_cast %swap3A_291 : vector<1x16xf32> to vector<16xf32>
        %swap3A_293 = vector.shape_cast %add3A_288 : vector<16xf32> to vector<1x16xf32>
        tpu.vector_store %arg9[%swap3A_289, %swap3A_290], %swap3A_293 {strides = array<i32>} : memref<64x512xf32, #tpu.memory_space<vmem>>, vector<1x16xf32>,
        %get3A_294 = arith.index_cast %scan3A_70 : i32 to index
        %get3A_295 = arith.constant 256 : index
        %get3A_296 = tpu.vector_load %arg9[%get3A_294, %get3A_295] {strides = array<i32>} : memref<64x512xf32, #tpu.memory_space<vmem>>, vector<1x16xf32>,
        %get3A_297 = vector.shape_cast %get3A_296 : vector<1x16xf32> to vector<16xf32>
        %get3A_298 = arith.index_cast %rem3A_71 : i32 to index
        %get3A_299 = arith.constant 256 : index
        %get3A_300 = tpu.vector_load %arg7[%get3A_298, %get3A_299] {strides = array<i32>} : memref<16x512xf32, #tpu.memory_space<vmem>>, vector<1x16xf32>,
        %get3A_301 = vector.shape_cast %get3A_300 : vector<1x16xf32> to vector<16xf32>
        %add3A_302 = arith.addf %get3A_297, %get3A_301 : vector<16xf32>
        %swap3A_303 = arith.index_cast %scan3A_70 : i32 to index
        %swap3A_304 = arith.constant 256 : index
        %swap3A_305 = tpu.vector_load %arg9[%swap3A_303, %swap3A_304] {strides = array<i32>} : memref<64x512xf32, #tpu.memory_space<vmem>>, vector<1x16xf32>,
        %swap3A_306 = vector.shape_cast %swap3A_305 : vector<1x16xf32> to vector<16xf32>
        %swap3A_307 = vector.shape_cast %add3A_302 : vector<16xf32> to vector<1x16xf32>
        tpu.vector_store %arg9[%swap3A_303, %swap3A_304], %swap3A_307 {strides = array<i32>} : memref<64x512xf32, #tpu.memory_space<vmem>>, vector<1x16xf32>,
        %get3A_308 = arith.index_cast %scan3A_70 : i32 to index
        %get3A_309 = arith.constant 272 : index
        %get3A_310 = tpu.vector_load %arg9[%get3A_308, %get3A_309] {strides = array<i32>} : memref<64x512xf32, #tpu.memory_space<vmem>>, vector<1x16xf32>,
        %get3A_311 = vector.shape_cast %get3A_310 : vector<1x16xf32> to vector<16xf32>
        %get3A_312 = arith.index_cast %rem3A_71 : i32 to index
        %get3A_313 = arith.constant 272 : index
        %get3A_314 = tpu.vector_load %arg7[%get3A_312, %get3A_313] {strides = array<i32>} : memref<16x512xf32, #tpu.memory_space<vmem>>, vector<1x16xf32>,
        %get3A_315 = vector.shape_cast %get3A_314 : vector<1x16xf32> to vector<16xf32>
        %add3A_316 = arith.addf %get3A_311, %get3A_315 : vector<16xf32>
        %swap3A_317 = arith.index_cast %scan3A_70 : i32 to index
        %swap3A_318 = arith.constant 272 : index
        %swap3A_319 = tpu.vector_load %arg9[%swap3A_317, %swap3A_318] {strides = array<i32>} : memref<64x512xf32, #tpu.memory_space<vmem>>, vector<1x16xf32>,
        %swap3A_320 = vector.shape_cast %swap3A_319 : vector<1x16xf32> to vector<16xf32>
        %swap3A_321 = vector.shape_cast %add3A_316 : vector<16xf32> to vector<1x16xf32>
        tpu.vector_store %arg9[%swap3A_317, %swap3A_318], %swap3A_321 {strides = array<i32>} : memref<64x512xf32, #tpu.memory_space<vmem>>, vector<1x16xf32>,
        %get3A_322 = arith.index_cast %scan3A_70 : i32 to index
        %get3A_323 = arith.constant 288 : index
        %get3A_324 = tpu.vector_load %arg9[%get3A_322, %get3A_323] {strides = array<i32>} : memref<64x512xf32, #tpu.memory_space<vmem>>, vector<1x16xf32>,
        %get3A_325 = vector.shape_cast %get3A_324 : vector<1x16xf32> to vector<16xf32>
        %get3A_326 = arith.index_cast %rem3A_71 : i32 to index
        %get3A_327 = arith.constant 288 : index
        %get3A_328 = tpu.vector_load %arg7[%get3A_326, %get3A_327] {strides = array<i32>} : memref<16x512xf32, #tpu.memory_space<vmem>>, vector<1x16xf32>,
        %get3A_329 = vector.shape_cast %get3A_328 : vector<1x16xf32> to vector<16xf32>
        %add3A_330 = arith.addf %get3A_325, %get3A_329 : vector<16xf32>
        %swap3A_331 = arith.index_cast %scan3A_70 : i32 to index
        %swap3A_332 = arith.constant 288 : index
        %swap3A_333 = tpu.vector_load %arg9[%swap3A_331, %swap3A_332] {strides = array<i32>} : memref<64x512xf32, #tpu.memory_space<vmem>>, vector<1x16xf32>,
        %swap3A_334 = vector.shape_cast %swap3A_333 : vector<1x16xf32> to vector<16xf32>
        %swap3A_335 = vector.shape_cast %add3A_330 : vector<16xf32> to vector<1x16xf32>
        tpu.vector_store %arg9[%swap3A_331, %swap3A_332], %swap3A_335 {strides = array<i32>} : memref<64x512xf32, #tpu.memory_space<vmem>>, vector<1x16xf32>,
        %get3A_336 = arith.index_cast %scan3A_70 : i32 to index
        %get3A_337 = arith.constant 304 : index
        %get3A_338 = tpu.vector_load %arg9[%get3A_336, %get3A_337] {strides = array<i32>} : memref<64x512xf32, #tpu.memory_space<vmem>>, vector<1x16xf32>,
        %get3A_339 = vector.shape_cast %get3A_338 : vector<1x16xf32> to vector<16xf32>
        %get3A_340 = arith.index_cast %rem3A_71 : i32 to index
        %get3A_341 = arith.constant 304 : index
        %get3A_342 = tpu.vector_load %arg7[%get3A_340, %get3A_341] {strides = array<i32>} : memref<16x512xf32, #tpu.memory_space<vmem>>, vector<1x16xf32>,
        %get3A_343 = vector.shape_cast %get3A_342 : vector<1x16xf32> to vector<16xf32>
        %add3A_344 = arith.addf %get3A_339, %get3A_343 : vector<16xf32>
        %swap3A_345 = arith.index_cast %scan3A_70 : i32 to index
        %swap3A_346 = arith.constant 304 : index
        %swap3A_347 = tpu.vector_load %arg9[%swap3A_345, %swap3A_346] {strides = array<i32>} : memref<64x512xf32, #tpu.memory_space<vmem>>, vector<1x16xf32>,
        %swap3A_348 = vector.shape_cast %swap3A_347 : vector<1x16xf32> to vector<16xf32>
        %swap3A_349 = vector.shape_cast %add3A_344 : vector<16xf32> to vector<1x16xf32>
        tpu.vector_store %arg9[%swap3A_345, %swap3A_346], %swap3A_349 {strides = array<i32>} : memref<64x512xf32, #tpu.memory_space<vmem>>, vector<1x16xf32>,
        %get3A_350 = arith.index_cast %scan3A_70 : i32 to index
        %get3A_351 = arith.constant 320 : index
        %get3A_352 = tpu.vector_load %arg9[%get3A_350, %get3A_351] {strides = array<i32>} : memref<64x512xf32, #tpu.memory_space<vmem>>, vector<1x16xf32>,
        %get3A_353 = vector.shape_cast %get3A_352 : vector<1x16xf32> to vector<16xf32>
        %get3A_354 = arith.index_cast %rem3A_71 : i32 to index
        %get3A_355 = arith.constant 320 : index
        %get3A_356 = tpu.vector_load %arg7[%get3A_354, %get3A_355] {strides = array<i32>} : memref<16x512xf32, #tpu.memory_space<vmem>>, vector<1x16xf32>,
        %get3A_357 = vector.shape_cast %get3A_356 : vector<1x16xf32> to vector<16xf32>
        %add3A_358 = arith.addf %get3A_353, %get3A_357 : vector<16xf32>
        %swap3A_359 = arith.index_cast %scan3A_70 : i32 to index
        %swap3A_360 = arith.constant 320 : index
        %swap3A_361 = tpu.vector_load %arg9[%swap3A_359, %swap3A_360] {strides = array<i32>} : memref<64x512xf32, #tpu.memory_space<vmem>>, vector<1x16xf32>,
        %swap3A_362 = vector.shape_cast %swap3A_361 : vector<1x16xf32> to vector<16xf32>
        %swap3A_363 = vector.shape_cast %add3A_358 : vector<16xf32> to vector<1x16xf32>
        tpu.vector_store %arg9[%swap3A_359, %swap3A_360], %swap3A_363 {strides = array<i32>} : memref<64x512xf32, #tpu.memory_space<vmem>>, vector<1x16xf32>,
        %get3A_364 = arith.index_cast %scan3A_70 : i32 to index
        %get3A_365 = arith.constant 336 : index
        %get3A_366 = tpu.vector_load %arg9[%get3A_364, %get3A_365] {strides = array<i32>} : memref<64x512xf32, #tpu.memory_space<vmem>>, vector<1x16xf32>,
        %get3A_367 = vector.shape_cast %get3A_366 : vector<1x16xf32> to vector<16xf32>
        %get3A_368 = arith.index_cast %rem3A_71 : i32 to index
        %get3A_369 = arith.constant 336 : index
        %get3A_370 = tpu.vector_load %arg7[%get3A_368, %get3A_369] {strides = array<i32>} : memref<16x512xf32, #tpu.memory_space<vmem>>, vector<1x16xf32>,
        %get3A_371 = vector.shape_cast %get3A_370 : vector<1x16xf32> to vector<16xf32>
        %add3A_372 = arith.addf %get3A_367, %get3A_371 : vector<16xf32>
        %swap3A_373 = arith.index_cast %scan3A_70 : i32 to index
        %swap3A_374 = arith.constant 336 : index
        %swap3A_375 = tpu.vector_load %arg9[%swap3A_373, %swap3A_374] {strides = array<i32>} : memref<64x512xf32, #tpu.memory_space<vmem>>, vector<1x16xf32>,
        %swap3A_376 = vector.shape_cast %swap3A_375 : vector<1x16xf32> to vector<16xf32>
        %swap3A_377 = vector.shape_cast %add3A_372 : vector<16xf32> to vector<1x16xf32>
        tpu.vector_store %arg9[%swap3A_373, %swap3A_374], %swap3A_377 {strides = array<i32>} : memref<64x512xf32, #tpu.memory_space<vmem>>, vector<1x16xf32>,
        %get3A_378 = arith.index_cast %scan3A_70 : i32 to index
        %get3A_379 = arith.constant 352 : index
        %get3A_380 = tpu.vector_load %arg9[%get3A_378, %get3A_379] {strides = array<i32>} : memref<64x512xf32, #tpu.memory_space<vmem>>, vector<1x16xf32>,
        %get3A_381 = vector.shape_cast %get3A_380 : vector<1x16xf32> to vector<16xf32>
        %get3A_382 = arith.index_cast %rem3A_71 : i32 to index
        %get3A_383 = arith.constant 352 : index
        %get3A_384 = tpu.vector_load %arg7[%get3A_382, %get3A_383] {strides = array<i32>} : memref<16x512xf32, #tpu.memory_space<vmem>>, vector<1x16xf32>,
        %get3A_385 = vector.shape_cast %get3A_384 : vector<1x16xf32> to vector<16xf32>
        %add3A_386 = arith.addf %get3A_381, %get3A_385 : vector<16xf32>
        %swap3A_387 = arith.index_cast %scan3A_70 : i32 to index
        %swap3A_388 = arith.constant 352 : index
        %swap3A_389 = tpu.vector_load %arg9[%swap3A_387, %swap3A_388] {strides = array<i32>} : memref<64x512xf32, #tpu.memory_space<vmem>>, vector<1x16xf32>,
        %swap3A_390 = vector.shape_cast %swap3A_389 : vector<1x16xf32> to vector<16xf32>
        %swap3A_391 = vector.shape_cast %add3A_386 : vector<16xf32> to vector<1x16xf32>
        tpu.vector_store %arg9[%swap3A_387, %swap3A_388], %swap3A_391 {strides = array<i32>} : memref<64x512xf32, #tpu.memory_space<vmem>>, vector<1x16xf32>,
        %get3A_392 = arith.index_cast %scan3A_70 : i32 to index
        %get3A_393 = arith.constant 368 : index
        %get3A_394 = tpu.vector_load %arg9[%get3A_392, %get3A_393] {strides = array<i32>} : memref<64x512xf32, #tpu.memory_space<vmem>>, vector<1x16xf32>,
        %get3A_395 = vector.shape_cast %get3A_394 : vector<1x16xf32> to vector<16xf32>
        %get3A_396 = arith.index_cast %rem3A_71 : i32 to index
        %get3A_397 = arith.constant 368 : index
        %get3A_398 = tpu.vector_load %arg7[%get3A_396, %get3A_397] {strides = array<i32>} : memref<16x512xf32, #tpu.memory_space<vmem>>, vector<1x16xf32>,
        %get3A_399 = vector.shape_cast %get3A_398 : vector<1x16xf32> to vector<16xf32>
        %add3A_400 = arith.addf %get3A_395, %get3A_399 : vector<16xf32>
        %swap3A_401 = arith.index_cast %scan3A_70 : i32 to index
        %swap3A_402 = arith.constant 368 : index
        %swap3A_403 = tpu.vector_load %arg9[%swap3A_401, %swap3A_402] {strides = array<i32>} : memref<64x512xf32, #tpu.memory_space<vmem>>, vector<1x16xf32>,
        %swap3A_404 = vector.shape_cast %swap3A_403 : vector<1x16xf32> to vector<16xf32>
        %swap3A_405 = vector.shape_cast %add3A_400 : vector<16xf32> to vector<1x16xf32>
        tpu.vector_store %arg9[%swap3A_401, %swap3A_402], %swap3A_405 {strides = array<i32>} : memref<64x512xf32, #tpu.memory_space<vmem>>, vector<1x16xf32>,
        %get3A_406 = arith.index_cast %scan3A_70 : i32 to index
        %get3A_407 = arith.constant 384 : index
        %get3A_408 = tpu.vector_load %arg9[%get3A_406, %get3A_407] {strides = array<i32>} : memref<64x512xf32, #tpu.memory_space<vmem>>, vector<1x16xf32>,
        %get3A_409 = vector.shape_cast %get3A_408 : vector<1x16xf32> to vector<16xf32>
        %get3A_410 = arith.index_cast %rem3A_71 : i32 to index
        %get3A_411 = arith.constant 384 : index
        %get3A_412 = tpu.vector_load %arg7[%get3A_410, %get3A_411] {strides = array<i32>} : memref<16x512xf32, #tpu.memory_space<vmem>>, vector<1x16xf32>,
        %get3A_413 = vector.shape_cast %get3A_412 : vector<1x16xf32> to vector<16xf32>
        %add3A_414 = arith.addf %get3A_409, %get3A_413 : vector<16xf32>
        %swap3A_415 = arith.index_cast %scan3A_70 : i32 to index
        %swap3A_416 = arith.constant 384 : index
        %swap3A_417 = tpu.vector_load %arg9[%swap3A_415, %swap3A_416] {strides = array<i32>} : memref<64x512xf32, #tpu.memory_space<vmem>>, vector<1x16xf32>,
        %swap3A_418 = vector.shape_cast %swap3A_417 : vector<1x16xf32> to vector<16xf32>
        %swap3A_419 = vector.shape_cast %add3A_414 : vector<16xf32> to vector<1x16xf32>
        tpu.vector_store %arg9[%swap3A_415, %swap3A_416], %swap3A_419 {strides = array<i32>} : memref<64x512xf32, #tpu.memory_space<vmem>>, vector<1x16xf32>,
        %get3A_420 = arith.index_cast %scan3A_70 : i32 to index
        %get3A_421 = arith.constant 400 : index
        %get3A_422 = tpu.vector_load %arg9[%get3A_420, %get3A_421] {strides = array<i32>} : memref<64x512xf32, #tpu.memory_space<vmem>>, vector<1x16xf32>,
        %get3A_423 = vector.shape_cast %get3A_422 : vector<1x16xf32> to vector<16xf32>
        %get3A_424 = arith.index_cast %rem3A_71 : i32 to index
        %get3A_425 = arith.constant 400 : index
        %get3A_426 = tpu.vector_load %arg7[%get3A_424, %get3A_425] {strides = array<i32>} : memref<16x512xf32, #tpu.memory_space<vmem>>, vector<1x16xf32>,
        %get3A_427 = vector.shape_cast %get3A_426 : vector<1x16xf32> to vector<16xf32>
        %add3A_428 = arith.addf %get3A_423, %get3A_427 : vector<16xf32>
        %swap3A_429 = arith.index_cast %scan3A_70 : i32 to index
        %swap3A_430 = arith.constant 400 : index
        %swap3A_431 = tpu.vector_load %arg9[%swap3A_429, %swap3A_430] {strides = array<i32>} : memref<64x512xf32, #tpu.memory_space<vmem>>, vector<1x16xf32>,
        %swap3A_432 = vector.shape_cast %swap3A_431 : vector<1x16xf32> to vector<16xf32>
        %swap3A_433 = vector.shape_cast %add3A_428 : vector<16xf32> to vector<1x16xf32>
        tpu.vector_store %arg9[%swap3A_429, %swap3A_430], %swap3A_433 {strides = array<i32>} : memref<64x512xf32, #tpu.memory_space<vmem>>, vector<1x16xf32>,
        %get3A_434 = arith.index_cast %scan3A_70 : i32 to index
        %get3A_435 = arith.constant 416 : index
        %get3A_436 = tpu.vector_load %arg9[%get3A_434, %get3A_435] {strides = array<i32>} : memref<64x512xf32, #tpu.memory_space<vmem>>, vector<1x16xf32>,
        %get3A_437 = vector.shape_cast %get3A_436 : vector<1x16xf32> to vector<16xf32>
        %get3A_438 = arith.index_cast %rem3A_71 : i32 to index
        %get3A_439 = arith.constant 416 : index
        %get3A_440 = tpu.vector_load %arg7[%get3A_438, %get3A_439] {strides = array<i32>} : memref<16x512xf32, #tpu.memory_space<vmem>>, vector<1x16xf32>,
        %get3A_441 = vector.shape_cast %get3A_440 : vector<1x16xf32> to vector<16xf32>
        %add3A_442 = arith.addf %get3A_437, %get3A_441 : vector<16xf32>
        %swap3A_443 = arith.index_cast %scan3A_70 : i32 to index
        %swap3A_444 = arith.constant 416 : index
        %swap3A_445 = tpu.vector_load %arg9[%swap3A_443, %swap3A_444] {strides = array<i32>} : memref<64x512xf32, #tpu.memory_space<vmem>>, vector<1x16xf32>,
        %swap3A_446 = vector.shape_cast %swap3A_445 : vector<1x16xf32> to vector<16xf32>
        %swap3A_447 = vector.shape_cast %add3A_442 : vector<16xf32> to vector<1x16xf32>
        tpu.vector_store %arg9[%swap3A_443, %swap3A_444], %swap3A_447 {strides = array<i32>} : memref<64x512xf32, #tpu.memory_space<vmem>>, vector<1x16xf32>,
        %get3A_448 = arith.index_cast %scan3A_70 : i32 to index
        %get3A_449 = arith.constant 432 : index
        %get3A_450 = tpu.vector_load %arg9[%get3A_448, %get3A_449] {strides = array<i32>} : memref<64x512xf32, #tpu.memory_space<vmem>>, vector<1x16xf32>,
        %get3A_451 = vector.shape_cast %get3A_450 : vector<1x16xf32> to vector<16xf32>
        %get3A_452 = arith.index_cast %rem3A_71 : i32 to index
        %get3A_453 = arith.constant 432 : index
        %get3A_454 = tpu.vector_load %arg7[%get3A_452, %get3A_453] {strides = array<i32>} : memref<16x512xf32, #tpu.memory_space<vmem>>, vector<1x16xf32>,
        %get3A_455 = vector.shape_cast %get3A_454 : vector<1x16xf32> to vector<16xf32>
        %add3A_456 = arith.addf %get3A_451, %get3A_455 : vector<16xf32>
        %swap3A_457 = arith.index_cast %scan3A_70 : i32 to index
        %swap3A_458 = arith.constant 432 : index
        %swap3A_459 = tpu.vector_load %arg9[%swap3A_457, %swap3A_458] {strides = array<i32>} : memref<64x512xf32, #tpu.memory_space<vmem>>, vector<1x16xf32>,
        %swap3A_460 = vector.shape_cast %swap3A_459 : vector<1x16xf32> to vector<16xf32>
        %swap3A_461 = vector.shape_cast %add3A_456 : vector<16xf32> to vector<1x16xf32>
        tpu.vector_store %arg9[%swap3A_457, %swap3A_458], %swap3A_461 {strides = array<i32>} : memref<64x512xf32, #tpu.memory_space<vmem>>, vector<1x16xf32>,
        %get3A_462 = arith.index_cast %scan3A_70 : i32 to index
        %get3A_463 = arith.constant 448 : index
        %get3A_464 = tpu.vector_load %arg9[%get3A_462, %get3A_463] {strides = array<i32>} : memref<64x512xf32, #tpu.memory_space<vmem>>, vector<1x16xf32>,
        %get3A_465 = vector.shape_cast %get3A_464 : vector<1x16xf32> to vector<16xf32>
        %get3A_466 = arith.index_cast %rem3A_71 : i32 to index
        %get3A_467 = arith.constant 448 : index
        %get3A_468 = tpu.vector_load %arg7[%get3A_466, %get3A_467] {strides = array<i32>} : memref<16x512xf32, #tpu.memory_space<vmem>>, vector<1x16xf32>,
        %get3A_469 = vector.shape_cast %get3A_468 : vector<1x16xf32> to vector<16xf32>
        %add3A_470 = arith.addf %get3A_465, %get3A_469 : vector<16xf32>
        %swap3A_471 = arith.index_cast %scan3A_70 : i32 to index
        %swap3A_472 = arith.constant 448 : index
        %swap3A_473 = tpu.vector_load %arg9[%swap3A_471, %swap3A_472] {strides = array<i32>} : memref<64x512xf32, #tpu.memory_space<vmem>>, vector<1x16xf32>,
        %swap3A_474 = vector.shape_cast %swap3A_473 : vector<1x16xf32> to vector<16xf32>
        %swap3A_475 = vector.shape_cast %add3A_470 : vector<16xf32> to vector<1x16xf32>
        tpu.vector_store %arg9[%swap3A_471, %swap3A_472], %swap3A_475 {strides = array<i32>} : memref<64x512xf32, #tpu.memory_space<vmem>>, vector<1x16xf32>,
        %get3A_476 = arith.index_cast %scan3A_70 : i32 to index
        %get3A_477 = arith.constant 464 : index
        %get3A_478 = tpu.vector_load %arg9[%get3A_476, %get3A_477] {strides = array<i32>} : memref<64x512xf32, #tpu.memory_space<vmem>>, vector<1x16xf32>,
        %get3A_479 = vector.shape_cast %get3A_478 : vector<1x16xf32> to vector<16xf32>
        %get3A_480 = arith.index_cast %rem3A_71 : i32 to index
        %get3A_481 = arith.constant 464 : index
        %get3A_482 = tpu.vector_load %arg7[%get3A_480, %get3A_481] {strides = array<i32>} : memref<16x512xf32, #tpu.memory_space<vmem>>, vector<1x16xf32>,
        %get3A_483 = vector.shape_cast %get3A_482 : vector<1x16xf32> to vector<16xf32>
        %add3A_484 = arith.addf %get3A_479, %get3A_483 : vector<16xf32>
        %swap3A_485 = arith.index_cast %scan3A_70 : i32 to index
        %swap3A_486 = arith.constant 464 : index
        %swap3A_487 = tpu.vector_load %arg9[%swap3A_485, %swap3A_486] {strides = array<i32>} : memref<64x512xf32, #tpu.memory_space<vmem>>, vector<1x16xf32>,
        %swap3A_488 = vector.shape_cast %swap3A_487 : vector<1x16xf32> to vector<16xf32>
        %swap3A_489 = vector.shape_cast %add3A_484 : vector<16xf32> to vector<1x16xf32>
        tpu.vector_store %arg9[%swap3A_485, %swap3A_486], %swap3A_489 {strides = array<i32>} : memref<64x512xf32, #tpu.memory_space<vmem>>, vector<1x16xf32>,
        %get3A_490 = arith.index_cast %scan3A_70 : i32 to index
        %get3A_491 = arith.constant 480 : index
        %get3A_492 = tpu.vector_load %arg9[%get3A_490, %get3A_491] {strides = array<i32>} : memref<64x512xf32, #tpu.memory_space<vmem>>, vector<1x16xf32>,
        %get3A_493 = vector.shape_cast %get3A_492 : vector<1x16xf32> to vector<16xf32>
        %get3A_494 = arith.index_cast %rem3A_71 : i32 to index
        %get3A_495 = arith.constant 480 : index
        %get3A_496 = tpu.vector_load %arg7[%get3A_494, %get3A_495] {strides = array<i32>} : memref<16x512xf32, #tpu.memory_space<vmem>>, vector<1x16xf32>,
        %get3A_497 = vector.shape_cast %get3A_496 : vector<1x16xf32> to vector<16xf32>
        %add3A_498 = arith.addf %get3A_493, %get3A_497 : vector<16xf32>
        %swap3A_499 = arith.index_cast %scan3A_70 : i32 to index
        %swap3A_500 = arith.constant 480 : index
        %swap3A_501 = tpu.vector_load %arg9[%swap3A_499, %swap3A_500] {strides = array<i32>} : memref<64x512xf32, #tpu.memory_space<vmem>>, vector<1x16xf32>,
        %swap3A_502 = vector.shape_cast %swap3A_501 : vector<1x16xf32> to vector<16xf32>
        %swap3A_503 = vector.shape_cast %add3A_498 : vector<16xf32> to vector<1x16xf32>
        tpu.vector_store %arg9[%swap3A_499, %swap3A_500], %swap3A_503 {strides = array<i32>} : memref<64x512xf32, #tpu.memory_space<vmem>>, vector<1x16xf32>,
        %get3A_504 = arith.index_cast %scan3A_70 : i32 to index
        %get3A_505 = arith.constant 496 : index
        %get3A_506 = tpu.vector_load %arg9[%get3A_504, %get3A_505] {strides = array<i32>} : memref<64x512xf32, #tpu.memory_space<vmem>>, vector<1x16xf32>,
        %get3A_507 = vector.shape_cast %get3A_506 : vector<1x16xf32> to vector<16xf32>
        %get3A_508 = arith.index_cast %rem3A_71 : i32 to index
        %get3A_509 = arith.constant 496 : index
        %get3A_510 = tpu.vector_load %arg7[%get3A_508, %get3A_509] {strides = array<i32>} : memref<16x512xf32, #tpu.memory_space<vmem>>, vector<1x16xf32>,
        %get3A_511 = vector.shape_cast %get3A_510 : vector<1x16xf32> to vector<16xf32>
        %add3A_512 = arith.addf %get3A_507, %get3A_511 : vector<16xf32>
        %swap3A_513 = arith.index_cast %scan3A_70 : i32 to index
        %swap3A_514 = arith.constant 496 : index
        %swap3A_515 = tpu.vector_load %arg9[%swap3A_513, %swap3A_514] {strides = array<i32>} : memref<64x512xf32, #tpu.memory_space<vmem>>, vector<1x16xf32>,
        %swap3A_516 = vector.shape_cast %swap3A_515 : vector<1x16xf32> to vector<16xf32>
        %swap3A_517 = vector.shape_cast %add3A_512 : vector<16xf32> to vector<1x16xf32>
        tpu.vector_store %arg9[%swap3A_513, %swap3A_514], %swap3A_517 {strides = array<i32>} : memref<64x512xf32, #tpu.memory_space<vmem>>, vector<1x16xf32>,
      }
      %scan3A_59 = arith.constant 64 : i32
      %mul3A_60 = arith.constant 64 : i32
      %mul3A_61 = arith.muli %add3A_47, %mul3A_60 : i32
      %add3A_62 = arith.addi %mul3A_2, %mul3A_61 : i32
      "tpu.region"() ({
        %run_scoped3A = tpu.sem_alloc : memref<!tpu.dma_semaphore, #tpu.memory_space<semaphore_mem>>
        %dma_start3A_70 = arith.constant 0 : i32
        %dma_start3A_71 = tpu.memref_slice %arg5[%add3A_62, %dma_start3A_70] : memref<262144x512xf32, #tpu.memory_space<hbm>> -> memref<64x512xf32, #tpu.memory_space<hbm>>
        %dma_start3A_72 = arith.constant 0 : i32
        %dma_start3A_73 = tpu.memref_slice %arg5[%add3A_62, %dma_start3A_72] : memref<262144x512xf32, #tpu.memory_space<hbm>> -> memref<64x512xf32, #tpu.memory_space<hbm>>
        tpu.enqueue_dma source(%arg9 : memref<64x512xf32, #tpu.memory_space<vmem>>) target(%dma_start3A_73 : memref<64x512xf32, #tpu.memory_space<hbm>>) target_semaphore(%run_scoped3A : memref<!tpu.dma_semaphore, #tpu.memory_space<semaphore_mem>>)
        %dma_wait3A_74 = arith.constant 0 : i32
        %dma_wait3A_75 = tpu.memref_slice %arg5[%add3A_62, %dma_wait3A_74] : memref<262144x512xf32, #tpu.memory_space<hbm>> -> memref<64x512xf32, #tpu.memory_space<hbm>>
        %dma_wait3A_76 = arith.constant 0 : i32
        %dma_wait3A_77 = tpu.memref_slice %arg5[%add3A_62, %dma_wait3A_76] : memref<262144x512xf32, #tpu.memory_space<hbm>> -> memref<64x512xf32, #tpu.memory_space<hbm>>
        tpu.wait_dma2 semaphore(%run_scoped3A : memref<!tpu.dma_semaphore, #tpu.memory_space<semaphore_mem>>) src(%arg9 : memref<64x512xf32, #tpu.memory_space<vmem>>) dst(%dma_wait3A_77 : memref<64x512xf32, #tpu.memory_space<hbm>>)
        tpu.yield
      }) : () -> ()
      %add3A_63 = arith.constant 2 : i32
      %add3A_64 = arith.addi %add3A_47, %add3A_63 : i32
      %lt3A_65 = arith.constant 128 : i32
      %lt3A_66 = arith.cmpi slt, %add3A_64, %lt3A_65 : i32
      %convert_element_type3A_67 = arith.extui %lt3A_66 : i1 to i32
      %cond3A_68 = arith.constant 0 : i32
      %cond3A_69 = arith.cmpi ne, %convert_element_type3A_67, %cond3A_68 : i32
      scf.if %cond3A_69 {
        %dma_start3A_70 = arith.constant 0 : i32
        %dma_start3A_71 = tpu.memref_slice %arg6[%add3A_64, %dma_start3A_70] : memref<128x64xi32, #tpu.memory_space<vmem>> -> memref<1x64xi32, #tpu.memory_space<vmem>>
        %dma_start3A_72 = tpu.memref_squeeze %dma_start3A_71 : memref<1x64xi32, #tpu.memory_space<vmem>> -> memref<64xi32, #tpu.memory_space<vmem>>
        %dma_start3A_73 = arith.constant 0 : i32
        %dma_start3A_74 = arith.constant 0 : i32
        %dma_start3A_75 = tpu.memref_slice %arg4[%dma_start3A_73, %dma_start3A_74] : memref<49408x512xf32, #tpu.memory_space<hbm>> -> memref<49408x512xf32, #tpu.memory_space<hbm>>
        tpu.enqueue_indirect_dma source(%dma_start3A_75 : memref<49408x512xf32, #tpu.memory_space<hbm>>) target(%arg9 : memref<64x512xf32, #tpu.memory_space<vmem>>) offsets(%dma_start3A_72 : memref<64xi32, #tpu.memory_space<vmem>>) semaphore(%arg11 : memref<!tpu.dma_semaphore, #tpu.memory_space<semaphore_mem>>)
      } else {
      }
    }
    %scan3A_22 = arith.constant 64 : i32
    return
  }
}

</mosaic_0001>

<sc_bundles>
// kernel: kernel.3.cloned.1.call-start
scs
__scs_entry_jumppad:
0x0: {  	(pc) =	sbr.rel $0x88, $3  }
0x1: {  	(tag) =	ssettag $0x0;
	lr =	simm.s32 $0x1  }
0x2: {  	[smem:$0x3F9E] =	sst lr;
	_ =	strace $0xD0000000  }
0x3: {  	_ = 	snop  }
0x4: {  	_ = 	snop  }
0x5: {  	_ = 	snop  }
0x6: {  	_ = 	snop  }
0x7: {  	_ = 	snop  }
__scs_overlays_trampoline_lowered:
0x8: {  	[smem:$0x3FAD] =	sst s0  }
0x9: {  	[smem:$0x3FAE] =	sst s1  }
0xa: {  	[smem:$0x3FAF] =	sst s2  }
0xb: {  	[smem:$0x3FB0] =	sst s3  }
0xc: {  	[smem:$0x3FB1] =	sst s4  }
0xd: {  	[smem:$0x3FB2] =	sst s5  }
0xe: {  	[smem:$0x3FB3] =	sst s6  }
0xf: {  	[smem:$0x3FB4] =	sst s7  }
0x10: {  	[smem:$0x3FB5] =	sst s8  }
0x11: {  	[smem:$0x3FB6] =	sst s9;
	s0 =	simm.s32 @!p0 $0x0  }
0x12: {  	s1 =	sld [smem:$0x3F9C];
	s0 =	simm.s32 @p0 $0x1  }
0x13: {  	[smem:$0x3FB7] =	sst s0;
	s0 =	simm.s32 @!p1 $0x0  }
0x14: {  	s2 =	sld [smem:$0x3F9B];
	s0 =	simm.s32 @p1 $0x1  }
0x15: {  	[smem:$0x3FB8] =	sst s0;
	s0 =	simm.s32 @!p2 $0x0  }
0x16: {  	s3 =	sld [smem:$0x3FDB];
	s0 =	simm.s32 @p2 $0x1  }
0x17: {  	s4 =	simm.s32 $0x1BF5;
	[smem:$0x3FBA] =	sst s0  }
0x18: {  	s0 =	sld [smem:$0x3F9D];
	_ =	swait.ge [sflag:s4], $0x0  }
0x19: {  	s7 =	sld [smem:$0x3F9E]  }
0x1a: {  	s8 =	sadd.s32 $0xFFFFE003, lr  }
0x1b: {  	s9 =	sadd.s32 $0xFFFFFEF7, lr;
	s5 =	simm.s32 $0xFFFFFFFF;
	p2 =	slt.u32 s8, $0xFFFFF086  }
0x1c: {  	p1 =	slt.u32 s9, $0xF7A;
	s5 =	simm.s32 @!p2 $0x0  }
0x1d: {  	s5 =	simm.s32 @p1 $0x1;
	p0 =	seq.s32 s7, s2  }
0x1e: {  	s7 =	smul.u32 @!p0 $0xF7A, s2;
	p2 =	seq.s32 @!p0 s5, $0x0  }
0x1f: {  	s9 =	smul.u32 $0xF7A, s1;
	s8 =	simm.s32 @!p0 $0x1BF5;
	p2 =	por !p2, p0  }
0x20: {  	[sflag:s8] =	ssyncset.s32 @!p0 $0xFFFFF086;
	s6 =	sadd.s32 @!p0 s3, s7;
	s7 =	simm.s32 @!p0 $0x108  }
0x21: {  	s3 =	sadd.s32 s3, s9;
	s6 =	sadd.s32 @!p0 $0x88, s6;
	s7 =	simm.s32 @p2 $0x1082  }
0x22: {  	[simem:s7], [sflag:s8] =	dma.local @!p0 [hbm:s6], $0xF7A  }
0x23: {  	s9 =	sor.u32 $0xD0000000, s2;
	s6 =	simm.s32 $0x108;
	_ =	swait.ge @!p0 [sflag:s8], $0x0  }
0x24: {  	s3 =	sadd.s32 $0x88, s3;
	s6 =	simm.s32 @!p1 $0x1082;
	[sflag:s4] =	ssyncset.s32 $0xFFFFF086  }
0x25: {  	[simem:s6], [sflag:s4] =	dma.local [hbm:s3], $0xF7A  }
0x26: {  	[smem:$0x3F9E] =	sst s1;
	(tag) =	ssettag s2;
	_ =	strace s9  }
0x27: {  	s1 =	sld [smem:$0x3FAE]  }
0x28: {  	s2 =	sld [smem:$0x3FAF]  }
0x29: {  	s4 =	sld [smem:$0x3FB1]  }
0x2a: {  	p0 =	seq.s32 s5, $0x0;
	s5 =	sld [smem:$0x3FB2]  }
0x2b: {  	s6 =	sld [smem:$0x3FB3]  }
0x2c: {  	s7 =	sld [smem:$0x3FB4]  }
0x2d: {  	s3 =	simm.s32 $0x108;
	s8 =	sld [smem:$0x3FB5]  }
0x2e: {  	s3 =	simm.s32 @!p0 $0x1082;
	s9 =	sld [smem:$0x3FB6]  }
0x2f: {  	lr =	sadd.s32 s0, s3;
	s0 =	sld [smem:$0x3FAD]  }
0x30: {  	s3 =	sld [smem:$0x3FB0]  }
0x31: {  	[smem:$0x3FB9] =	sst s10  }
0x32: {  	s10 =	sld [smem:$0x3FB7];
	_ =	sdelay $0x3  }
0x33: {  	p0 =	seq.s32 s10, $0x1;
	s10 =	sld [smem:$0x3FB9];
	_ =	sdelay $0x3  }
0x34: {  	[smem:$0x3FB9] =	sst s10  }
0x35: {  	s10 =	sld [smem:$0x3FB8];
	_ =	sdelay $0x3  }
0x36: {  	p1 =	seq.s32 s10, $0x1;
	s10 =	sld [smem:$0x3FB9];
	_ =	sdelay $0x3  }
0x37: {  	[smem:$0x3FB9] =	sst s10  }
0x38: {  	s10 =	sld [smem:$0x3FBA]  }
0x39: {  	_ = 	snop;
	(pc) =	sbr.ind lr, $3  }
0x3a: {  	_ = 	snop  }
0x3b: {  	_ = 	snop  }
0x3c: {  	p2 =	seq.s32 s10, $0x1;
	s10 =	sld [smem:$0x3FB9]  }
0x3d: {  	_ =	shalt  }
0x3e: {  	_ =	shalt  }
0x3f: {  	_ =	shalt  }
0x40: {  	_ =	shalt  }
0x41: {  	_ =	shalt  }
0x42: {  	_ =	shalt  }
0x43: {  	_ =	shalt  }
0x44: {  	_ =	shalt  }
0x45: {  	_ =	shalt  }
0x46: {  	_ =	shalt  }
0x47: {  	_ =	shalt  }
0x48: {  	_ =	shalt  }
0x49: {  	_ =	shalt  }
0x4a: {  	_ =	shalt  }
0x4b: {  	_ =	shalt  }
0x4c: {  	_ =	shalt  }
0x4d: {  	_ =	shalt  }
0x4e: {  	_ =	shalt  }
0x4f: {  	_ =	shalt  }
0x50: {  	_ =	shalt  }
0x51: {  	_ =	shalt  }
0x52: {  	_ =	shalt  }
0x53: {  	_ =	shalt  }
0x54: {  	_ =	shalt  }
0x55: {  	_ =	shalt  }
0x56: {  	_ =	shalt  }
0x57: {  	_ =	shalt  }
0x58: {  	_ =	shalt  }
0x59: {  	_ =	shalt  }
0x5a: {  	_ =	shalt  }
0x5b: {  	_ =	shalt  }
0x5c: {  	_ =	shalt  }
0x5d: {  	_ =	shalt  }
0x5e: {  	_ =	shalt  }
0x5f: {  	_ =	shalt  }
0x60: {  	_ =	shalt  }
0x61: {  	_ =	shalt  }
0x62: {  	_ =	shalt  }
0x63: {  	_ =	shalt  }
0x64: {  	_ =	shalt  }
0x65: {  	_ =	shalt  }
0x66: {  	_ =	shalt  }
0x67: {  	_ =	shalt  }
0x68: {  	_ =	shalt  }
0x69: {  	_ =	shalt  }
0x6a: {  	_ =	shalt  }
0x6b: {  	_ =	shalt  }
0x6c: {  	_ =	shalt  }
0x6d: {  	_ =	shalt  }
0x6e: {  	_ =	shalt  }
0x6f: {  	_ =	shalt  }
0x70: {  	_ =	shalt  }
0x71: {  	_ =	shalt  }
0x72: {  	_ =	shalt  }
0x73: {  	_ =	shalt  }
0x74: {  	_ =	shalt  }
0x75: {  	_ =	shalt  }
0x76: {  	_ =	shalt  }
0x77: {  	_ =	shalt  }
0x78: {  	_ =	shalt  }
0x79: {  	_ =	shalt  }
0x7a: {  	_ =	shalt  }
0x7b: {  	_ =	shalt  }
0x7c: {  	_ =	shalt  }
0x7d: {  	_ =	shalt  }
0x7e: {  	_ =	shalt  }
0x7f: {  	_ =	shalt  }
0x80: {  	_ =	shalt  }
0x81: {  	_ =	shalt  }
0x82: {  	_ =	shalt  }
0x83: {  	_ =	shalt  }
0x84: {  	_ =	shalt  }
0x85: {  	_ =	shalt  }
0x86: {  	_ =	shalt  }
0x87: {  	_ =	shalt  }
.Lfunc_end0:
.L_simem_size_0:
called_computation_lowered:
.L_overlay_start_0:
0x88: {  	s2 =	sld [smem:$0x3FD9]  }
0x89: {  	s3 =	sld [smem:$0x3FFE];
	_ =	sdelay $0x1  }
0x8a: {  	s1 =	srdreg.scid  }
0x8b: {  	s0 =	sand.u32 $0x1, s1  }
0x8c: {  	s17 =	sshll.u32 s0, $0xA;
	s2 =	sadd.s32 s3, s2  }
0x8d: {  	s2 =	sadd.s32 s2, s17  }
0x8e: {  	[smem:$0x3FC5] =	sst s2  }
0x8f: {  	_ = 	snop  }
0x90: {  	s2 =	sld [smem:$0x3FC8]  }
0x91: {  	s18 =	sld [smem:$0x3FC7]  }
0x92: {  	s4 =	sld [smem:$0x3FD0];
	(tm) =	ssettm $0x1  }
0x93: {  	s5 =	sld [smem:$0x3FFB];
	_ =	sdelay $0x3  }
0x94: {  	_ =	strace s5  }
0x95: {  	s5 =	sld [smem:$0x3FFC];
	_ =	sdelay $0x3  }
0x96: {  	_ =	strace s5  }
0x97: {  	s5 =	sld [smem:$0x3FFD];
	_ =	sdelay $0x3  }
0x98: {  	_ =	strace s5  }
0x99: {  	_ =	strace $0x8FFFFFFF  }
0x9a: {  	s19 =	sld [smem:$0x3FDB];
	_ =	sdelay $0x1  }
0x9b: {  	s6 =	simm.s32 $_scs_section_size  }
0x9c: {  	s7 =	simm.s32 $_size__tile_overlayer_lowered;
	s8 =	simm.s32 $_tile_overlayer_lowered  }
0x9d: {  	s22 =	simm.s32 $0x1BFF;
	s21 =	sshll.u32 s8, $0x1;
	s5 =	sadd.s32 s6, s19  }
0x9e: {  	s9 =	simm.s32 $0x0;
	s20 =	sshll.u32 s7, $0x1;
	s7 =	sadd.s32 s21, s5  }
0x9f: {  	[timem:s9], [sflag:s22] =	dma.local [hbm:s7], s20  }
0xa0: {  	_ =	swait.ge [sflag:s22], s20  }
0xa1: {  	s6 =	ssub.s32 $0x0, s20;
	[sflag:s22] =	ssyncset.done $0x0  }
0xa2: {  	[sflag:s22] =	ssyncadd.s32 s6;
	_ =	sdelay $0x1  }
0xa3: {  	s23 =	simm.s32 $0x1B8B  }
0xa4: {  	_ =	swait.ge [sflag:s23], $0x1  }
0xa5: {  	[sflag:s23] =	ssyncset.done $0x0  }
0xa6: {  	s25 =	simm.s32 $0x1B8E;
	s24 =	sld [smem:$0x3FFE];
	[sflag:s23] =	ssyncadd.s32 $0xFFFFFFFF  }
0xa7: {  	s26 =	simm.s32 $execute0_lowered;
	[smem:$0x3FD2] =	sst s25  }
0xa8: {  	s7 =	sshll.u32 s26, $0x1;
	_ =	strace $0x80000046;
	[dreg:$0x1] =	wrdreg $0xFFFFFFFF  }
0xa9: {  	s28 =	simm.s32 $_size_execute0_lowered;
	s5 =	sadd.s32 s5, s7;
	[dreg:$0x0] =	wrdreg $0x0  }
0xaa: {  	s7 =	sshll.u32 s28, $0x1;
	[dreg:$0x2] =	wrdreg s5  }
0xab: {  	[dreg:$0x3] =	wrdreg s7  }
0xac: {  	[dreg:$0x4] =	wrdreg $0xC0  }
0xad: {  	_ =	task [dreg:s9], $0x5FFFF  }
0xae: {  	[dreg:$0x1] =	wrdreg $0xFFFFFFFF  }
0xaf: {  	[dreg:$0x0] =	wrdreg $0x60  }
0xb0: {  	[dreg:$0x2] =	wrdreg s24  }
0xb1: {  	[dreg:$0x3] =	wrdreg s18  }
0xb2: {  	[dreg:$0x4] =	wrdreg s2  }
0xb3: {  	[dreg:$0x5] =	wrdreg s4  }
0xb4: {  	[dreg:$0x6] =	wrdreg $0x9  }
0xb5: {  	_ =	task.clear_ibuf [dreg:s9], $0x7FFFF;
	_ =	strace $0x90000046  }
0xb6: {  	s29 =	simm.s32 $0x9;
	_ =	strace $0x80000048  }
0xb7: {  	_ =	swait.ge [sflag:s29], $0x1  }
0xb8: {  	[sflag:s29] =	ssyncadd.s32 $0xFFFFFFFF  }
0xb9: {  	_ =	strace $0x90000048  }
0xba: {  	_ =	sfence  }
0xbb: {  	s30 =	sld [smem:$0x0];
	_ =	sdelay $0x2  }
0xbc: {  	s31 =	sshll.u32 s1, $0xD;
	s1 =	sshrl.u32 s1, $0x2  }
0xbd: {  	s3 =	sand.u32 $0x4000, s31;
	s1 =	sadd.s32 s1, s30  }
0xbe: {  	s0 =	sor.u32 s3, s0;
	s1 =	sshll.u32 s1, $0x11  }
0xbf: {  	s0 =	sor.u32 s1, s0  }
0xc0: {  	s0 =	sadd.s32 $0x8F2B, s0  }
0xc1: {  	[sflag:s0] =	ssyncadd.remote.s32 $0x1  }
0xc2: {  	_ =	sfence.sel $0xFFFF  }
0xc3: {  	[dreg:$0x0] =	wrdreg $0xFFFFFFFF;
	(pc) =	sbr.abs _section_cstart, $3  }
0xc4: {  	[dreg:$0x1] =	wrdreg $0xFFFFFFFF  }
0xc5: {  	_ =	task.clear_ibuf [dreg:s9], $0x2FFFF;
	_ =	strace $0x9FFFFFFF  }
0xc6: {  	(tm) =	ssettm $0x7FFFFFFF  }
0xc7: {  	_ =	shalt  }
tec
execute0_lowered:
.L_overlay_start_1:
0x0: {  	(tag) =	ssettag $0x1  }
0x1: {  	s0 =	rddreg [dreg:$0x0]  }
0x2: {  	s3 =	rddreg [dreg:$0x2]  }
0x3: {  	s1 =	rddreg [dreg:$0x3];
	s2 =	srdreg.scid  }
0x4: {  	s4 =	stileid.u32;
	s9 =	simm.s32 $0x3;
	s11 =	simm.s32 $0x6000  }
0x5: {  	s28 =	simm.s32 $0xE000;
	s31 =	simm.s32 $0xF800;
	s10 =	simm.s32 $0x11800  }
0x6: {  	s8 =	simm.s32 $0x12800;
	s12 =	simm.s32 $0x13000;
	s13 =	simm.s32 $0x13800  }
0x7: {  	s14 =	simm.s32 $0x14000;
	s15 =	simm.s32 $0x14800;
	s16 =	simm.s32 $0x15000  }
0x8: {  	s17 =	simm.s32 $0x15800;
	s18 =	simm.s32 $0x1;
	s19 =	simm.s32 $0x2  }
0x9: {  	s21 =	simm.s32 $0x0;
	s2 =	sand.u32 $0x1, s2;
	s5 =	sshll.u32 s4, $0x1  }
0xa: {  	s4 =	simm.s32 $0x0;
	s5 =	sor.u32 s2, s5;
	s2 =	ssub.s32 $0x2, s2  }
0xb: {  	[smem:$0x7FF] =	sst s4;
	s6 =	sshll.u32 s5, $0xB;
	s7 =	sshrl.u32 s2, $0x1  }
.Ltmp0:
0xc: {  	_ =	strace $0x80000047;
	s5 =	sshll.u32 s5, $0x13;
	(pc) =	sbr.rel .LBB2_1-.Ltmp0, $4  }
0xd: {  	s0 =	sadd.s32 s6, s0;
	s2 =	ssub.s32 s2, s7;
	s6 =	sadd.s32 $0x100, s3  }
0xe: {  	v2 =	vlaneseq.u32;
	s7 =	sadd.s32 s1, s5;
	s1 =	simm.s32 $0x10800;
	s0 =	sadd.s32 $0x400, s0  }
0xf: {  	vm0 =	vmmov $0xffff;
	v1 =	vshrl.u32 v2, $0x3;
	s5 =	simm.s32 $0x12000;
	s30 =	smax.u32 s2, $0x1;
	[dreg:$0x5] =	wrdreg s0  }
0x10: {  	v0 =	vand.u32 $0x7, v2;
	v2 =	vor.u32 $0x8, v2;
	v1 =	vmul.u32 $0x8, v1;
	s2 =	simm.s32 $0x11000;
	[dreg:$0x6] =	wrdreg s30;
	s0 =	simm.s32 $0x10000  }
.LBB2_10:
0x11: {  	s21 =	rddreg [dreg:$0x7]  }
0x12: {  	s20 =	rddreg [dreg:$0x6];
	s21 =	sadd.s32 $0x1, s21  }
0x13: {  	p0 =	sne.s32 s21, s20  }
.Ltmp1:
0x14: {  	_ = 	snop;
	(pc) =	sbr.rel @!p0 .LBB2_11-.Ltmp1, $1  }
0x15: {  	_ =	sdelay $0x3  }
.LBB2_1:
0x16: {  	[dreg:$0x7] =	wrdreg s21  }
0x17: {  	s20 =	rddreg [dreg:$0x5]  }
0x18: {  	[tilespmem:s4], [sflag:$0x3] =	stream.linear.gather [hbm4b:s20+s4], $0x4000, $0x38;
	[tilespmem:$0x16000] =	vst v63  }
0x19: {  	_ =	swait.ge [sflag:s9], $0x4000  }
0x1a: {  	[sflag:s9] =	ssyncset.done $0x0  }
0x1b: {  	[sflag:s9] =	ssyncadd.s32 $0xFFFFC000  }
0x1c: {  	s29 =	simm.s32 $0x4000;
	s26 =	rddreg [dreg:$0x1]  }
0x1d: {  	[tilespmem:s29], [sflag:$0x3] =	stream.linear.gather [hbm4b:s26+s4], $0x2000, $0x38;
	[tilespmem:$0x16000] =	vst v63  }
0x1e: {  	_ =	swait.ge [sflag:s9], $0x2000  }
0x1f: {  	[sflag:s9] =	ssyncset.done $0x0  }
0x20: {  	[sflag:s9] =	ssyncadd.s32 $0xFFFFE000  }
0x21: {  	v3 =	vld [tilespmem:$0x0];
	_ =	sdelay $0x4  }
0x22: {  	v4 =	vshll.u32 v3, $0x2  }
0x23: {  	v3 =	vand.u32 $0x7, v3;
	v4 =	vand.u32 $0xFFFFFFE0, v4  }
0x24: {  	v3 =	vor.u32 v3, v4  }
0x25: {  	v4 =	vperm.xlane v3, v0;
	_ =	sdelay $0x1  }
0x26: {  	v4 =	vadd.s32 v1, v4;
	_ =	sdelay $0x1  }
0x27: {  	v3 =	vperm.xlane v3, v2;
	_ =	sdelay $0x1  }
0x28: {  	v3 =	vadd.s32 v1, v3  }
0x29: {  	[tilespmem:s11], [sflag:$0x1] =	stream.indirect_vreg.gather [hbm4b:s3+s4], $0x80, v4, vm0, $0xb8;
	[tilespmem:$0x16000] =	vst v63  }
0x2a: {  	s30 =	simm.s32 $0x6800  }
0x2b: {  	[tilespmem:s30], [sflag:$0x1] =	stream.indirect_vreg.gather [hbm4b:s6+s4], $0x80, v4, vm0, $0xb8;
	[tilespmem:$0x16000] =	vst v63  }
0x2c: {  	s21 =	simm.s32 $0x7000  }
0x2d: {  	[tilespmem:s21], [sflag:$0x1] =	stream.indirect_vreg.gather [hbm4b:s3+s4], $0x80, v3, vm0, $0xb8;
	[tilespmem:$0x16000] =	vst v63  }
0x2e: {  	s22 =	simm.s32 $0x7800  }
0x2f: {  	[tilespmem:s22], [sflag:$0x1] =	stream.indirect_vreg.gather [hbm4b:s6+s4], $0x80, v3, vm0, $0xb8;
	[tilespmem:$0x16000] =	vst v63  }
0x30: {  	v3 =	vld [tilespmem:$0x10];
	_ =	sdelay $0x4  }
0x31: {  	v57 =	vshll.u32 v3, $0x2  }
0x32: {  	v3 =	vand.u32 $0x7, v3;
	v4 =	vand.u32 $0xFFFFFFE0, v57  }
0x33: {  	v3 =	vor.u32 v3, v4  }
0x34: {  	v4 =	vperm.xlane v3, v0;
	_ =	sdelay $0x1  }
0x35: {  	v4 =	vadd.s32 v1, v4;
	_ =	sdelay $0x1  }
0x36: {  	v3 =	vperm.xlane v3, v2;
	_ =	sdelay $0x1  }
0x37: {  	s23 =	simm.s32 $0x8000;
	v3 =	vadd.s32 v1, v3  }
0x38: {  	[tilespmem:s23], [sflag:$0x1] =	stream.indirect_vreg.gather [hbm4b:s3+s4], $0x80, v4, vm0, $0xb8;
	[tilespmem:$0x16000] =	vst v63  }
0x39: {  	s24 =	simm.s32 $0x8800  }
0x3a: {  	[tilespmem:s24], [sflag:$0x1] =	stream.indirect_vreg.gather [hbm4b:s6+s4], $0x80, v4, vm0, $0xb8;
	[tilespmem:$0x16000] =	vst v63  }
0x3b: {  	s25 =	simm.s32 $0x9000  }
0x3c: {  	[tilespmem:s25], [sflag:$0x1] =	stream.indirect_vreg.gather [hbm4b:s3+s4], $0x80, v3, vm0, $0xb8;
	[tilespmem:$0x16000] =	vst v63  }
0x3d: {  	s26 =	simm.s32 $0x9800  }
0x3e: {  	[tilespmem:s26], [sflag:$0x1] =	stream.indirect_vreg.gather [hbm4b:s6+s4], $0x80, v3, vm0, $0xb8;
	[tilespmem:$0x16000] =	vst v63  }
0x3f: {  	v3 =	vld [tilespmem:$0x20];
	_ =	sdelay $0x4  }
0x40: {  	v58 =	vshll.u32 v3, $0x2  }
0x41: {  	v3 =	vand.u32 $0x7, v3;
	v4 =	vand.u32 $0xFFFFFFE0, v58  }
0x42: {  	v3 =	vor.u32 v3, v4  }
0x43: {  	v4 =	vperm.xlane v3, v0;
	_ =	sdelay $0x1  }
0x44: {  	v4 =	vadd.s32 v1, v4;
	_ =	sdelay $0x1  }
0x45: {  	v3 =	vperm.xlane v3, v2;
	_ =	sdelay $0x1  }
0x46: {  	s29 =	simm.s32 $0xA000;
	v3 =	vadd.s32 v1, v3  }
0x47: {  	[tilespmem:s29], [sflag:$0x1] =	stream.indirect_vreg.gather [hbm4b:s3+s4], $0x80, v4, vm0, $0xb8;
	[tilespmem:$0x16000] =	vst v63  }
0x48: {  	s30 =	simm.s32 $0xA800  }
0x49: {  	[tilespmem:s30], [sflag:$0x1] =	stream.indirect_vreg.gather [hbm4b:s6+s4], $0x80, v4, vm0, $0xb8;
	[tilespmem:$0x16000] =	vst v63  }
0x4a: {  	s21 =	simm.s32 $0xB000  }
0x4b: {  	[tilespmem:s21], [sflag:$0x1] =	stream.indirect_vreg.gather [hbm4b:s3+s4], $0x80, v3, vm0, $0xb8;
	[tilespmem:$0x16000] =	vst v63  }
0x4c: {  	s22 =	simm.s32 $0xB800  }
0x4d: {  	[tilespmem:s22], [sflag:$0x1] =	stream.indirect_vreg.gather [hbm4b:s6+s4], $0x80, v3, vm0, $0xb8;
	[tilespmem:$0x16000] =	vst v63  }
0x4e: {  	v3 =	vld [tilespmem:$0x30];
	_ =	sdelay $0x4  }
0x4f: {  	v59 =	vshll.u32 v3, $0x2  }
0x50: {  	v3 =	vand.u32 $0x7, v3;
	v4 =	vand.u32 $0xFFFFFFE0, v59  }
0x51: {  	v3 =	vor.u32 v3, v4  }
0x52: {  	v4 =	vperm.xlane v3, v0;
	_ =	sdelay $0x1  }
0x53: {  	v4 =	vadd.s32 v1, v4;
	_ =	sdelay $0x1  }
0x54: {  	v3 =	vperm.xlane v3, v2;
	_ =	sdelay $0x1  }
0x55: {  	s23 =	simm.s32 $0xC000;
	v3 =	vadd.s32 v1, v3  }
0x56: {  	[tilespmem:s23], [sflag:$0x1] =	stream.indirect_vreg.gather [hbm4b:s3+s4], $0x80, v4, vm0, $0xb8;
	[tilespmem:$0x16000] =	vst v63  }
0x57: {  	s24 =	simm.s32 $0xC800  }
0x58: {  	[tilespmem:s24], [sflag:$0x1] =	stream.indirect_vreg.gather [hbm4b:s6+s4], $0x80, v4, vm0, $0xb8;
	[tilespmem:$0x16000] =	vst v63  }
0x59: {  	s25 =	simm.s32 $0xD000  }
0x5a: {  	[tilespmem:s25], [sflag:$0x1] =	stream.indirect_vreg.gather [hbm4b:s3+s4], $0x80, v3, vm0, $0xb8;
	[tilespmem:$0x16000] =	vst v63  }
0x5b: {  	s26 =	simm.s32 $0xD800  }
0x5c: {  	[tilespmem:s26], [sflag:$0x1] =	stream.indirect_vreg.gather [hbm4b:s6+s4], $0x80, v3, vm0, $0xb8;
	[tilespmem:$0x16000] =	vst v63  }
0x5d: {  	v3 =	vld [tilespmem:$0x80];
	_ =	sdelay $0x4  }
0x5e: {  	v60 =	vshll.u32 v3, $0x2  }
0x5f: {  	v3 =	vand.u32 $0x7, v3;
	v4 =	vand.u32 $0xFFFFFFE0, v60  }
0x60: {  	v3 =	vor.u32 v3, v4  }
0x61: {  	v4 =	vperm.xlane v3, v0;
	_ =	sdelay $0x1  }
0x62: {  	v4 =	vadd.s32 v1, v4;
	_ =	sdelay $0x1  }
0x63: {  	v3 =	vperm.xlane v3, v2;
	_ =	sdelay $0x1  }
0x64: {  	v3 =	vadd.s32 v1, v3  }
0x65: {  	[tilespmem:s28], [sflag:$0x2] =	stream.indirect_vreg.gather [hbm4b:s3+s4], $0x80, v4, vm0, $0xb8;
	[tilespmem:$0x16000] =	vst v63  }
0x66: {  	s29 =	simm.s32 $0xE800  }
0x67: {  	[tilespmem:s29], [sflag:$0x2] =	stream.indirect_vreg.gather [hbm4b:s6+s4], $0x80, v4, vm0, $0xb8;
	[tilespmem:$0x16000] =	vst v63  }
0x68: {  	s30 =	simm.s32 $0xF000  }
0x69: {  	[tilespmem:s30], [sflag:$0x2] =	stream.indirect_vreg.gather [hbm4b:s3+s4], $0x80, v3, vm0, $0xb8;
	[tilespmem:$0x16000] =	vst v63  }
0x6a: {  	_ = 	snop  }
0x6b: {  	[tilespmem:s31], [sflag:$0x2] =	stream.indirect_vreg.gather [hbm4b:s6+s4], $0x80, v3, vm0, $0xb8;
	[tilespmem:$0x16000] =	vst v63  }
0x6c: {  	v3 =	vld [tilespmem:$0x90];
	_ =	sdelay $0x4  }
0x6d: {  	v61 =	vshll.u32 v3, $0x2  }
0x6e: {  	v3 =	vand.u32 $0x7, v3;
	v4 =	vand.u32 $0xFFFFFFE0, v61  }
0x6f: {  	v3 =	vor.u32 v3, v4  }
0x70: {  	v4 =	vperm.xlane v3, v0;
	_ =	sdelay $0x1  }
0x71: {  	v4 =	vadd.s32 v1, v4;
	_ =	sdelay $0x1  }
0x72: {  	v3 =	vperm.xlane v3, v2;
	_ =	sdelay $0x1  }
0x73: {  	v3 =	vadd.s32 v1, v3  }
0x74: {  	[tilespmem:s0], [sflag:$0x2] =	stream.indirect_vreg.gather [hbm4b:s3+s4], $0x80, v4, vm0, $0xb8;
	[tilespmem:$0x16000] =	vst v63  }
0x75: {  	_ = 	snop  }
0x76: {  	[tilespmem:s1], [sflag:$0x2] =	stream.indirect_vreg.gather [hbm4b:s6+s4], $0x80, v4, vm0, $0xb8;
	[tilespmem:$0x16000] =	vst v63  }
0x77: {  	_ = 	snop  }
0x78: {  	[tilespmem:s2], [sflag:$0x2] =	stream.indirect_vreg.gather [hbm4b:s3+s4], $0x80, v3, vm0, $0xb8;
	[tilespmem:$0x16000] =	vst v63  }
0x79: {  	_ = 	snop  }
0x7a: {  	[tilespmem:s10], [sflag:$0x2] =	stream.indirect_vreg.gather [hbm4b:s6+s4], $0x80, v3, vm0, $0xb8;
	[tilespmem:$0x16000] =	vst v63  }
0x7b: {  	v3 =	vld [tilespmem:$0xA0];
	_ =	sdelay $0x4  }
0x7c: {  	v62 =	vshll.u32 v3, $0x2  }
0x7d: {  	v3 =	vand.u32 $0x7, v3;
	v4 =	vand.u32 $0xFFFFFFE0, v62  }
0x7e: {  	v3 =	vor.u32 v3, v4  }
0x7f: {  	v4 =	vperm.xlane v3, v0;
	_ =	sdelay $0x1  }
0x80: {  	v4 =	vadd.s32 v1, v4;
	_ =	sdelay $0x1  }
0x81: {  	v3 =	vperm.xlane v3, v2;
	_ =	sdelay $0x1  }
0x82: {  	v3 =	vadd.s32 v1, v3  }
0x83: {  	[tilespmem:s5], [sflag:$0x2] =	stream.indirect_vreg.gather [hbm4b:s3+s4], $0x80, v4, vm0, $0xb8;
	[tilespmem:$0x16000] =	vst v63  }
0x84: {  	_ = 	snop  }
0x85: {  	[tilespmem:s8], [sflag:$0x2] =	stream.indirect_vreg.gather [hbm4b:s6+s4], $0x80, v4, vm0, $0xb8;
	[tilespmem:$0x16000] =	vst v63  }
0x86: {  	_ = 	snop  }
0x87: {  	[tilespmem:s12], [sflag:$0x2] =	stream.indirect_vreg.gather [hbm4b:s3+s4], $0x80, v3, vm0, $0xb8;
	[tilespmem:$0x16000] =	vst v63  }
0x88: {  	_ = 	snop  }
0x89: {  	[tilespmem:s13], [sflag:$0x2] =	stream.indirect_vreg.gather [hbm4b:s6+s4], $0x80, v3, vm0, $0xb8;
	[tilespmem:$0x16000] =	vst v63  }
0x8a: {  	v3 =	vld [tilespmem:$0xB0];
	_ =	sdelay $0x4  }
0x8b: {  	v63 =	vshll.u32 v3, $0x2  }
0x8c: {  	v3 =	vand.u32 $0x7, v3;
	v4 =	vand.u32 $0xFFFFFFE0, v63  }
0x8d: {  	v3 =	vor.u32 v3, v4  }
0x8e: {  	v4 =	vperm.xlane v3, v0;
	_ =	sdelay $0x1  }
0x8f: {  	v4 =	vadd.s32 v1, v4;
	_ =	sdelay $0x1  }
0x90: {  	v3 =	vperm.xlane v3, v2;
	_ =	sdelay $0x1  }
0x91: {  	v3 =	vadd.s32 v1, v3  }
0x92: {  	[tilespmem:s14], [sflag:$0x2] =	stream.indirect_vreg.gather [hbm4b:s3+s4], $0x80, v4, vm0, $0xb8;
	[tilespmem:$0x16000] =	vst v63  }
0x93: {  	_ = 	snop  }
0x94: {  	[tilespmem:s15], [sflag:$0x2] =	stream.indirect_vreg.gather [hbm4b:s6+s4], $0x80, v4, vm0, $0xb8;
	[tilespmem:$0x16000] =	vst v63  }
0x95: {  	_ = 	snop  }
0x96: {  	[tilespmem:s16], [sflag:$0x2] =	stream.indirect_vreg.gather [hbm4b:s3+s4], $0x80, v3, vm0, $0xb8;
	[tilespmem:$0x16000] =	vst v63  }
0x97: {  	s20 =	simm.s32 $0x0  }
0x98: {  	[tilespmem:s17], [sflag:$0x2] =	stream.indirect_vreg.gather [hbm4b:s6+s4], $0x80, v3, vm0, $0xb8;
	[tilespmem:$0x16000] =	vst v63  }
.LBB2_2:
0x99: {  	_ =	swait.ge [sflag:s18], $0x8000;
	s22 =	simm.s32 $0x0  }
0x9a: {  	[sflag:s18] =	ssyncset.done $0x0;
	s21 =	sand.u32 $0x7000, s22;
	s23 =	sand.u32 $0x380, s22  }
0x9b: {  	s22 =	sand.u32 $0x1000, s22;
	[sflag:s18] =	ssyncadd.s32 $0xFFFF8000;
	s21 =	sor.u32 s23, s21  }
0x9c: {  	s22 =	sor.u32 s23, s22;
	v3 =	vld [tilespmem:s21+$0x6000]  }
0x9d: {  	v4 =	vld [tilespmem:s22+$0x4000];
	_ =	sdelay $0x4  }
0x9e: {  	v3 =	vadd.f32 v4, v3;
	_ =	sdelay $0x1  }
0x9f: {  	[tilespmem:s21+$0x6000] =	vst v3;
	v3 =	vld [tilespmem:s21+$0x6010]  }
0xa0: {  	v4 =	vld [tilespmem:s22+$0x4010];
	_ =	sdelay $0x4  }
0xa1: {  	v3 =	vadd.f32 v4, v3;
	_ =	sdelay $0x1  }
0xa2: {  	[tilespmem:s21+$0x6010] =	vst v3;
	v3 =	vld [tilespmem:s21+$0x6020]  }
0xa3: {  	v4 =	vld [tilespmem:s22+$0x4020];
	_ =	sdelay $0x4  }
0xa4: {  	v3 =	vadd.f32 v4, v3;
	_ =	sdelay $0x1  }
0xa5: {  	[tilespmem:s21+$0x6020] =	vst v3;
	v3 =	vld [tilespmem:s21+$0x6030]  }
0xa6: {  	v4 =	vld [tilespmem:s22+$0x4030];
	_ =	sdelay $0x4  }
0xa7: {  	v3 =	vadd.f32 v4, v3;
	_ =	sdelay $0x1  }
0xa8: {  	[tilespmem:s21+$0x6030] =	vst v3;
	v3 =	vld [tilespmem:s21+$0x6040]  }
0xa9: {  	v4 =	vld [tilespmem:s22+$0x4040];
	_ =	sdelay $0x4  }
0xaa: {  	v3 =	vadd.f32 v4, v3;
	_ =	sdelay $0x1  }
0xab: {  	[tilespmem:s21+$0x6040] =	vst v3;
	v3 =	vld [tilespmem:s21+$0x6050]  }
0xac: {  	v4 =	vld [tilespmem:s22+$0x4050];
	_ =	sdelay $0x4  }
0xad: {  	v3 =	vadd.f32 v4, v3;
	_ =	sdelay $0x1  }
0xae: {  	[tilespmem:s21+$0x6050] =	vst v3;
	v3 =	vld [tilespmem:s21+$0x6060]  }
0xaf: {  	v4 =	vld [tilespmem:s22+$0x4060];
	_ =	sdelay $0x4  }
0xb0: {  	v3 =	vadd.f32 v4, v3;
	_ =	sdelay $0x1  }
0xb1: {  	[tilespmem:s21+$0x6060] =	vst v3;
	v3 =	vld [tilespmem:s21+$0x6070]  }
0xb2: {  	v4 =	vld [tilespmem:s22+$0x4070];
	_ =	sdelay $0x4  }
0xb3: {  	v3 =	vadd.f32 v4, v3;
	_ =	sdelay $0x1  }
0xb4: {  	[tilespmem:s21+$0x6070] =	vst v3;
	v3 =	vld [tilespmem:s21+$0x6400]  }
0xb5: {  	v4 =	vld [tilespmem:s22+$0x4400];
	_ =	sdelay $0x4  }
0xb6: {  	v3 =	vadd.f32 v4, v3;
	_ =	sdelay $0x1  }
0xb7: {  	[tilespmem:s21+$0x6400] =	vst v3;
	v3 =	vld [tilespmem:s21+$0x6410]  }
0xb8: {  	v4 =	vld [tilespmem:s22+$0x4410];
	_ =	sdelay $0x4  }
0xb9: {  	v3 =	vadd.f32 v4, v3;
	_ =	sdelay $0x1  }
0xba: {  	[tilespmem:s21+$0x6410] =	vst v3;
	v3 =	vld [tilespmem:s21+$0x6420]  }
0xbb: {  	v4 =	vld [tilespmem:s22+$0x4420];
	_ =	sdelay $0x4  }
0xbc: {  	v3 =	vadd.f32 v4, v3;
	_ =	sdelay $0x1  }
0xbd: {  	[tilespmem:s21+$0x6420] =	vst v3;
	v3 =	vld [tilespmem:s21+$0x6430]  }
0xbe: {  	v4 =	vld [tilespmem:s22+$0x4430];
	_ =	sdelay $0x4  }
0xbf: {  	v3 =	vadd.f32 v4, v3;
	_ =	sdelay $0x1  }
0xc0: {  	[tilespmem:s21+$0x6430] =	vst v3;
	v3 =	vld [tilespmem:s21+$0x6440]  }
0xc1: {  	v4 =	vld [tilespmem:s22+$0x4440];
	_ =	sdelay $0x4  }
0xc2: {  	v3 =	vadd.f32 v4, v3;
	_ =	sdelay $0x1  }
0xc3: {  	[tilespmem:s21+$0x6440] =	vst v3;
	v3 =	vld [tilespmem:s21+$0x6450]  }
0xc4: {  	v4 =	vld [tilespmem:s22+$0x4450];
	_ =	sdelay $0x4  }
0xc5: {  	v3 =	vadd.f32 v4, v3;
	_ =	sdelay $0x1  }
0xc6: {  	[tilespmem:s21+$0x6450] =	vst v3;
	v3 =	vld [tilespmem:s21+$0x6460]  }
0xc7: {  	v4 =	vld [tilespmem:s22+$0x4460];
	_ =	sdelay $0x4  }
0xc8: {  	v3 =	vadd.f32 v4, v3;
	_ =	sdelay $0x1  }
0xc9: {  	[tilespmem:s21+$0x6460] =	vst v3;
	v3 =	vld [tilespmem:s21+$0x6470]  }
0xca: {  	v4 =	vld [tilespmem:s22+$0x4470];
	_ =	sdelay $0x4  }
0xcb: {  	v3 =	vadd.f32 v4, v3;
	_ =	sdelay $0x1  }
0xcc: {  	[tilespmem:s21+$0x6470] =	vst v3;
	v3 =	vld [tilespmem:s21+$0x6800]  }
0xcd: {  	v4 =	vld [tilespmem:s22+$0x4800];
	_ =	sdelay $0x4  }
0xce: {  	v3 =	vadd.f32 v4, v3;
	_ =	sdelay $0x1  }
0xcf: {  	[tilespmem:s21+$0x6800] =	vst v3;
	v3 =	vld [tilespmem:s21+$0x6810]  }
0xd0: {  	v4 =	vld [tilespmem:s22+$0x4810];
	_ =	sdelay $0x4  }
0xd1: {  	v3 =	vadd.f32 v4, v3;
	_ =	sdelay $0x1  }
0xd2: {  	[tilespmem:s21+$0x6810] =	vst v3;
	v3 =	vld [tilespmem:s21+$0x6820]  }
0xd3: {  	v4 =	vld [tilespmem:s22+$0x4820];
	_ =	sdelay $0x4  }
0xd4: {  	v3 =	vadd.f32 v4, v3;
	_ =	sdelay $0x1  }
0xd5: {  	[tilespmem:s21+$0x6820] =	vst v3;
	v3 =	vld [tilespmem:s21+$0x6830]  }
0xd6: {  	v4 =	vld [tilespmem:s22+$0x4830];
	_ =	sdelay $0x4  }
0xd7: {  	v3 =	vadd.f32 v4, v3;
	_ =	sdelay $0x1  }
0xd8: {  	[tilespmem:s21+$0x6830] =	vst v3;
	v3 =	vld [tilespmem:s21+$0x6840]  }
0xd9: {  	v4 =	vld [tilespmem:s22+$0x4840];
	_ =	sdelay $0x4  }
0xda: {  	v3 =	vadd.f32 v4, v3;
	_ =	sdelay $0x1  }
0xdb: {  	[tilespmem:s21+$0x6840] =	vst v3;
	v3 =	vld [tilespmem:s21+$0x6850]  }
0xdc: {  	v4 =	vld [tilespmem:s22+$0x4850];
	_ =	sdelay $0x4  }
0xdd: {  	v3 =	vadd.f32 v4, v3;
	_ =	sdelay $0x1  }
0xde: {  	[tilespmem:s21+$0x6850] =	vst v3;
	v3 =	vld [tilespmem:s21+$0x6860]  }
0xdf: {  	v4 =	vld [tilespmem:s22+$0x4860];
	_ =	sdelay $0x4  }
0xe0: {  	v3 =	vadd.f32 v4, v3;
	_ =	sdelay $0x1  }
0xe1: {  	[tilespmem:s21+$0x6860] =	vst v3;
	v3 =	vld [tilespmem:s21+$0x6870]  }
0xe2: {  	v4 =	vld [tilespmem:s22+$0x4870];
	_ =	sdelay $0x4  }
0xe3: {  	v3 =	vadd.f32 v4, v3;
	_ =	sdelay $0x1  }
0xe4: {  	[tilespmem:s21+$0x6870] =	vst v3;
	v3 =	vld [tilespmem:s21+$0x6C00]  }
0xe5: {  	v4 =	vld [tilespmem:s22+$0x4C00];
	_ =	sdelay $0x4  }
0xe6: {  	v3 =	vadd.f32 v4, v3;
	_ =	sdelay $0x1  }
0xe7: {  	[tilespmem:s21+$0x6C00] =	vst v3;
	v3 =	vld [tilespmem:s21+$0x6C10]  }
0xe8: {  	v4 =	vld [tilespmem:s22+$0x4C10];
	_ =	sdelay $0x4  }
0xe9: {  	v3 =	vadd.f32 v4, v3;
	_ =	sdelay $0x1  }
0xea: {  	[tilespmem:s21+$0x6C10] =	vst v3;
	v3 =	vld [tilespmem:s21+$0x6C20]  }
0xeb: {  	v4 =	vld [tilespmem:s22+$0x4C20];
	_ =	sdelay $0x4  }
0xec: {  	v3 =	vadd.f32 v4, v3;
	_ =	sdelay $0x1  }
0xed: {  	[tilespmem:s21+$0x6C20] =	vst v3;
	v3 =	vld [tilespmem:s21+$0x6C30]  }
0xee: {  	v4 =	vld [tilespmem:s22+$0x4C30];
	_ =	sdelay $0x4  }
0xef: {  	v3 =	vadd.f32 v4, v3;
	_ =	sdelay $0x1  }
0xf0: {  	[tilespmem:s21+$0x6C30] =	vst v3;
	v3 =	vld [tilespmem:s21+$0x6C40]  }
0xf1: {  	v4 =	vld [tilespmem:s22+$0x4C40];
	_ =	sdelay $0x4  }
0xf2: {  	v3 =	vadd.f32 v4, v3;
	_ =	sdelay $0x1  }
0xf3: {  	[tilespmem:s21+$0x6C40] =	vst v3;
	v3 =	vld [tilespmem:s21+$0x6C50]  }
0xf4: {  	v4 =	vld [tilespmem:s22+$0x4C50];
	_ =	sdelay $0x4  }
0xf5: {  	v3 =	vadd.f32 v4, v3;
	_ =	sdelay $0x1  }
0xf6: {  	[tilespmem:s21+$0x6C50] =	vst v3;
	v3 =	vld [tilespmem:s21+$0x6C60]  }
0xf7: {  	v4 =	vld [tilespmem:s22+$0x4C60];
	_ =	sdelay $0x4  }
0xf8: {  	v3 =	vadd.f32 v4, v3;
	_ =	sdelay $0x1  }
0xf9: {  	[tilespmem:s21+$0x6C60] =	vst v3;
	v3 =	vld [tilespmem:s21+$0x6C70]  }
0xfa: {  	v4 =	vld [tilespmem:s22+$0x4C70];
	_ =	sdelay $0x3  }
0xfb: {  	s30 =	simm.s32 $0x200;
	s22 =	simm.s32 $0x80  }
0xfc: {  	s25 =	sand.u32 $0x7000, s30;
	s24 =	sand.u32 $0x380, s22;
	v3 =	vadd.f32 v4, v3  }
0xfd: {  	s26 =	sand.u32 $0x1000, s30;
	s23 =	simm.s32 $0x400;
	s25 =	sor.u32 s24, s25  }
.LBB2_3:
0xfe: {  	p0 =	sne.s32 s23, $0x7E00;
	v4 =	vld [tilespmem:s25+$0x6000];
	s24 =	sor.u32 s24, s26;
	[tilespmem:s21+$0x6C70] =	vst v3;
	s21 =	smov.u32 s25  }
0xff: {  	v3 =	vld [tilespmem:s24+$0x4000];
	_ =	sdelay $0x4  }
0x100: {  	v3 =	vadd.f32 v3, v4;
	_ =	sdelay $0x1  }
0x101: {  	[tilespmem:s21+$0x6000] =	vst v3;
	v3 =	vld [tilespmem:s21+$0x6010]  }
0x102: {  	v4 =	vld [tilespmem:s24+$0x4010];
	_ =	sdelay $0x4  }
0x103: {  	v3 =	vadd.f32 v4, v3;
	_ =	sdelay $0x1  }
0x104: {  	[tilespmem:s21+$0x6010] =	vst v3;
	v3 =	vld [tilespmem:s21+$0x6020]  }
0x105: {  	v4 =	vld [tilespmem:s24+$0x4020];
	_ =	sdelay $0x4  }
0x106: {  	v3 =	vadd.f32 v4, v3;
	_ =	sdelay $0x1  }
0x107: {  	[tilespmem:s21+$0x6020] =	vst v3;
	v3 =	vld [tilespmem:s21+$0x6030]  }
0x108: {  	v4 =	vld [tilespmem:s24+$0x4030];
	_ =	sdelay $0x4  }
0x109: {  	v3 =	vadd.f32 v4, v3;
	_ =	sdelay $0x1  }
0x10a: {  	[tilespmem:s21+$0x6030] =	vst v3;
	v3 =	vld [tilespmem:s21+$0x6040]  }
0x10b: {  	v4 =	vld [tilespmem:s24+$0x4040];
	_ =	sdelay $0x4  }
0x10c: {  	v3 =	vadd.f32 v4, v3;
	_ =	sdelay $0x1  }
0x10d: {  	[tilespmem:s21+$0x6040] =	vst v3;
	v3 =	vld [tilespmem:s21+$0x6050]  }
0x10e: {  	v4 =	vld [tilespmem:s24+$0x4050];
	_ =	sdelay $0x4  }
0x10f: {  	v3 =	vadd.f32 v4, v3;
	_ =	sdelay $0x1  }
0x110: {  	[tilespmem:s21+$0x6050] =	vst v3;
	v3 =	vld [tilespmem:s21+$0x6060]  }
0x111: {  	v4 =	vld [tilespmem:s24+$0x4060];
	_ =	sdelay $0x4  }
0x112: {  	v3 =	vadd.f32 v4, v3;
	_ =	sdelay $0x1  }
0x113: {  	[tilespmem:s21+$0x6060] =	vst v3;
	v3 =	vld [tilespmem:s21+$0x6070]  }
0x114: {  	v4 =	vld [tilespmem:s24+$0x4070];
	_ =	sdelay $0x4  }
0x115: {  	v3 =	vadd.f32 v4, v3;
	_ =	sdelay $0x1  }
0x116: {  	[tilespmem:s21+$0x6070] =	vst v3;
	v3 =	vld [tilespmem:s21+$0x6400]  }
0x117: {  	v4 =	vld [tilespmem:s24+$0x4400];
	_ =	sdelay $0x4  }
0x118: {  	v3 =	vadd.f32 v4, v3;
	_ =	sdelay $0x1  }
0x119: {  	[tilespmem:s21+$0x6400] =	vst v3;
	v3 =	vld [tilespmem:s21+$0x6410]  }
0x11a: {  	v4 =	vld [tilespmem:s24+$0x4410];
	_ =	sdelay $0x4  }
0x11b: {  	v3 =	vadd.f32 v4, v3;
	_ =	sdelay $0x1  }
0x11c: {  	[tilespmem:s21+$0x6410] =	vst v3;
	v3 =	vld [tilespmem:s21+$0x6420]  }
0x11d: {  	v4 =	vld [tilespmem:s24+$0x4420];
	_ =	sdelay $0x4  }
0x11e: {  	v3 =	vadd.f32 v4, v3;
	_ =	sdelay $0x1  }
0x11f: {  	[tilespmem:s21+$0x6420] =	vst v3;
	v3 =	vld [tilespmem:s21+$0x6430]  }
0x120: {  	v4 =	vld [tilespmem:s24+$0x4430];
	_ =	sdelay $0x4  }
0x121: {  	v3 =	vadd.f32 v4, v3;
	_ =	sdelay $0x1  }
0x122: {  	[tilespmem:s21+$0x6430] =	vst v3;
	v3 =	vld [tilespmem:s21+$0x6440]  }
0x123: {  	v4 =	vld [tilespmem:s24+$0x4440];
	_ =	sdelay $0x4  }
0x124: {  	v3 =	vadd.f32 v4, v3;
	_ =	sdelay $0x1  }
0x125: {  	[tilespmem:s21+$0x6440] =	vst v3;
	v3 =	vld [tilespmem:s21+$0x6450]  }
0x126: {  	v4 =	vld [tilespmem:s24+$0x4450];
	_ =	sdelay $0x4  }
0x127: {  	v3 =	vadd.f32 v4, v3;
	_ =	sdelay $0x1  }
0x128: {  	[tilespmem:s21+$0x6450] =	vst v3;
	v3 =	vld [tilespmem:s21+$0x6460]  }
0x129: {  	v4 =	vld [tilespmem:s24+$0x4460];
	_ =	sdelay $0x4  }
0x12a: {  	v3 =	vadd.f32 v4, v3;
	_ =	sdelay $0x1  }
0x12b: {  	[tilespmem:s21+$0x6460] =	vst v3;
	v3 =	vld [tilespmem:s21+$0x6470]  }
0x12c: {  	v4 =	vld [tilespmem:s24+$0x4470];
	_ =	sdelay $0x4  }
0x12d: {  	v3 =	vadd.f32 v4, v3;
	_ =	sdelay $0x1  }
0x12e: {  	[tilespmem:s21+$0x6470] =	vst v3;
	v3 =	vld [tilespmem:s21+$0x6800]  }
0x12f: {  	v4 =	vld [tilespmem:s24+$0x4800];
	_ =	sdelay $0x4  }
0x130: {  	v3 =	vadd.f32 v4, v3;
	_ =	sdelay $0x1  }
0x131: {  	[tilespmem:s21+$0x6800] =	vst v3;
	v3 =	vld [tilespmem:s21+$0x6810]  }
0x132: {  	v4 =	vld [tilespmem:s24+$0x4810];
	_ =	sdelay $0x4  }
0x133: {  	v3 =	vadd.f32 v4, v3;
	_ =	sdelay $0x1  }
0x134: {  	[tilespmem:s21+$0x6810] =	vst v3;
	v3 =	vld [tilespmem:s21+$0x6820]  }
0x135: {  	v4 =	vld [tilespmem:s24+$0x4820];
	_ =	sdelay $0x4  }
0x136: {  	v3 =	vadd.f32 v4, v3;
	_ =	sdelay $0x1  }
0x137: {  	[tilespmem:s21+$0x6820] =	vst v3;
	v3 =	vld [tilespmem:s21+$0x6830]  }
0x138: {  	v4 =	vld [tilespmem:s24+$0x4830];
	_ =	sdelay $0x4  }
0x139: {  	v3 =	vadd.f32 v4, v3;
	_ =	sdelay $0x1  }
0x13a: {  	[tilespmem:s21+$0x6830] =	vst v3;
	v3 =	vld [tilespmem:s21+$0x6840]  }
0x13b: {  	v4 =	vld [tilespmem:s24+$0x4840];
	_ =	sdelay $0x4  }
0x13c: {  	v3 =	vadd.f32 v4, v3;
	_ =	sdelay $0x1  }
0x13d: {  	[tilespmem:s21+$0x6840] =	vst v3;
	v3 =	vld [tilespmem:s21+$0x6850]  }
0x13e: {  	v4 =	vld [tilespmem:s24+$0x4850];
	_ =	sdelay $0x4  }
0x13f: {  	v3 =	vadd.f32 v4, v3;
	_ =	sdelay $0x1  }
0x140: {  	[tilespmem:s21+$0x6850] =	vst v3;
	v3 =	vld [tilespmem:s21+$0x6860]  }
0x141: {  	v4 =	vld [tilespmem:s24+$0x4860];
	_ =	sdelay $0x4  }
0x142: {  	v3 =	vadd.f32 v4, v3;
	_ =	sdelay $0x1  }
0x143: {  	[tilespmem:s21+$0x6860] =	vst v3;
	v3 =	vld [tilespmem:s21+$0x6870]  }
0x144: {  	v4 =	vld [tilespmem:s24+$0x4870];
	_ =	sdelay $0x4  }
0x145: {  	v3 =	vadd.f32 v4, v3;
	_ =	sdelay $0x1  }
0x146: {  	[tilespmem:s21+$0x6870] =	vst v3;
	v3 =	vld [tilespmem:s21+$0x6C00]  }
0x147: {  	v4 =	vld [tilespmem:s24+$0x4C00];
	_ =	sdelay $0x4  }
0x148: {  	v3 =	vadd.f32 v4, v3;
	_ =	sdelay $0x1  }
0x149: {  	[tilespmem:s21+$0x6C00] =	vst v3;
	v3 =	vld [tilespmem:s21+$0x6C10]  }
0x14a: {  	v4 =	vld [tilespmem:s24+$0x4C10];
	_ =	sdelay $0x4  }
0x14b: {  	v3 =	vadd.f32 v4, v3;
	_ =	sdelay $0x1  }
0x14c: {  	[tilespmem:s21+$0x6C10] =	vst v3;
	v3 =	vld [tilespmem:s21+$0x6C20]  }
0x14d: {  	v4 =	vld [tilespmem:s24+$0x4C20];
	_ =	sdelay $0x4  }
0x14e: {  	v3 =	vadd.f32 v4, v3;
	_ =	sdelay $0x1  }
0x14f: {  	[tilespmem:s21+$0x6C20] =	vst v3;
	v3 =	vld [tilespmem:s21+$0x6C30]  }
0x150: {  	v4 =	vld [tilespmem:s24+$0x4C30];
	_ =	sdelay $0x4  }
0x151: {  	v3 =	vadd.f32 v4, v3;
	_ =	sdelay $0x1  }
0x152: {  	[tilespmem:s21+$0x6C30] =	vst v3;
	v3 =	vld [tilespmem:s21+$0x6C40]  }
0x153: {  	v4 =	vld [tilespmem:s24+$0x4C40];
	_ =	sdelay $0x4  }
0x154: {  	v3 =	vadd.f32 v4, v3;
	_ =	sdelay $0x1  }
0x155: {  	[tilespmem:s21+$0x6C40] =	vst v3;
	v3 =	vld [tilespmem:s21+$0x6C50]  }
0x156: {  	v4 =	vld [tilespmem:s24+$0x4C50];
	_ =	sdelay $0x4  }
0x157: {  	v3 =	vadd.f32 v4, v3;
	_ =	sdelay $0x1  }
0x158: {  	[tilespmem:s21+$0x6C50] =	vst v3;
	v3 =	vld [tilespmem:s21+$0x6C60]  }
0x159: {  	v4 =	vld [tilespmem:s24+$0x4C60];
	_ =	sdelay $0x4  }
0x15a: {  	v3 =	vadd.f32 v4, v3;
	_ =	sdelay $0x1  }
0x15b: {  	[tilespmem:s21+$0x6C60] =	vst v3;
	v3 =	vld [tilespmem:s21+$0x6C70]  }
0x15c: {  	v4 =	vld [tilespmem:s24+$0x4C70];
	_ =	sdelay $0x1  }
.Ltmp2:
0x15d: {  	(pc) =	sbr.rel @p0 .LBB2_3-.Ltmp2, $4  }
0x15e: {  	_ = 	snop  }
0x15f: {  	s22 =	sadd.s32 $0x80, s22  }
0x160: {  	s25 =	sand.u32 $0x7000, s23;
	s24 =	sand.u32 $0x380, s22;
	v3 =	vadd.f32 v4, v3  }
0x161: {  	s26 =	sand.u32 $0x1000, s23;
	s23 =	sadd.s32 $0x200, s23;
	s25 =	sor.u32 s24, s25  }
0x162: {  	v4 =	vld [tilespmem:s25+$0x6000];
	s22 =	sor.u32 s24, s26;
	[tilespmem:s21+$0x6C70] =	vst v3  }
0x163: {  	v3 =	vld [tilespmem:s22+$0x4000];
	_ =	sdelay $0x4  }
0x164: {  	v3 =	vadd.f32 v3, v4;
	_ =	sdelay $0x1  }
0x165: {  	[tilespmem:s25+$0x6000] =	vst v3;
	v3 =	vld [tilespmem:s25+$0x6010]  }
0x166: {  	v33 =	vld [tilespmem:s22+$0x4010];
	_ =	sdelay $0x4  }
0x167: {  	v3 =	vadd.f32 v33, v3;
	_ =	sdelay $0x1  }
0x168: {  	[tilespmem:s25+$0x6010] =	vst v3;
	v3 =	vld [tilespmem:s25+$0x6020]  }
0x169: {  	v34 =	vld [tilespmem:s22+$0x4020];
	_ =	sdelay $0x4  }
0x16a: {  	v3 =	vadd.f32 v34, v3;
	_ =	sdelay $0x1  }
0x16b: {  	[tilespmem:s25+$0x6020] =	vst v3;
	v3 =	vld [tilespmem:s25+$0x6030]  }
0x16c: {  	v35 =	vld [tilespmem:s22+$0x4030];
	_ =	sdelay $0x4  }
0x16d: {  	v3 =	vadd.f32 v35, v3;
	_ =	sdelay $0x1  }
0x16e: {  	[tilespmem:s25+$0x6030] =	vst v3;
	v3 =	vld [tilespmem:s25+$0x6040]  }
0x16f: {  	v36 =	vld [tilespmem:s22+$0x4040];
	_ =	sdelay $0x4  }
0x170: {  	v3 =	vadd.f32 v36, v3;
	_ =	sdelay $0x1  }
0x171: {  	[tilespmem:s25+$0x6040] =	vst v3;
	v3 =	vld [tilespmem:s25+$0x6050]  }
0x172: {  	v37 =	vld [tilespmem:s22+$0x4050];
	_ =	sdelay $0x4  }
0x173: {  	v3 =	vadd.f32 v37, v3;
	_ =	sdelay $0x1  }
0x174: {  	[tilespmem:s25+$0x6050] =	vst v3;
	v3 =	vld [tilespmem:s25+$0x6060]  }
0x175: {  	v38 =	vld [tilespmem:s22+$0x4060];
	_ =	sdelay $0x4  }
0x176: {  	v3 =	vadd.f32 v38, v3;
	_ =	sdelay $0x1  }
0x177: {  	[tilespmem:s25+$0x6060] =	vst v3;
	v3 =	vld [tilespmem:s25+$0x6070]  }
0x178: {  	v39 =	vld [tilespmem:s22+$0x4070];
	_ =	sdelay $0x4  }
0x179: {  	v3 =	vadd.f32 v39, v3;
	_ =	sdelay $0x1  }
0x17a: {  	[tilespmem:s25+$0x6070] =	vst v3;
	v3 =	vld [tilespmem:s25+$0x6400]  }
0x17b: {  	v40 =	vld [tilespmem:s22+$0x4400];
	_ =	sdelay $0x4  }
0x17c: {  	v3 =	vadd.f32 v40, v3;
	_ =	sdelay $0x1  }
0x17d: {  	[tilespmem:s25+$0x6400] =	vst v3;
	v3 =	vld [tilespmem:s25+$0x6410]  }
0x17e: {  	v41 =	vld [tilespmem:s22+$0x4410];
	_ =	sdelay $0x4  }
0x17f: {  	v3 =	vadd.f32 v41, v3;
	_ =	sdelay $0x1  }
0x180: {  	[tilespmem:s25+$0x6410] =	vst v3;
	v3 =	vld [tilespmem:s25+$0x6420]  }
0x181: {  	v42 =	vld [tilespmem:s22+$0x4420];
	_ =	sdelay $0x4  }
0x182: {  	v3 =	vadd.f32 v42, v3;
	_ =	sdelay $0x1  }
0x183: {  	[tilespmem:s25+$0x6420] =	vst v3;
	v3 =	vld [tilespmem:s25+$0x6430]  }
0x184: {  	v43 =	vld [tilespmem:s22+$0x4430];
	_ =	sdelay $0x4  }
0x185: {  	v3 =	vadd.f32 v43, v3;
	_ =	sdelay $0x1  }
0x186: {  	[tilespmem:s25+$0x6430] =	vst v3;
	v3 =	vld [tilespmem:s25+$0x6440]  }
0x187: {  	v44 =	vld [tilespmem:s22+$0x4440];
	_ =	sdelay $0x4  }
0x188: {  	v3 =	vadd.f32 v44, v3;
	_ =	sdelay $0x1  }
0x189: {  	[tilespmem:s25+$0x6440] =	vst v3;
	v3 =	vld [tilespmem:s25+$0x6450]  }
0x18a: {  	v45 =	vld [tilespmem:s22+$0x4450];
	_ =	sdelay $0x4  }
0x18b: {  	v3 =	vadd.f32 v45, v3;
	_ =	sdelay $0x1  }
0x18c: {  	[tilespmem:s25+$0x6450] =	vst v3;
	v3 =	vld [tilespmem:s25+$0x6460]  }
0x18d: {  	v46 =	vld [tilespmem:s22+$0x4460];
	_ =	sdelay $0x4  }
0x18e: {  	v3 =	vadd.f32 v46, v3;
	_ =	sdelay $0x1  }
0x18f: {  	[tilespmem:s25+$0x6460] =	vst v3;
	v3 =	vld [tilespmem:s25+$0x6470]  }
0x190: {  	v47 =	vld [tilespmem:s22+$0x4470];
	_ =	sdelay $0x4  }
0x191: {  	v3 =	vadd.f32 v47, v3;
	_ =	sdelay $0x1  }
0x192: {  	[tilespmem:s25+$0x6470] =	vst v3;
	v3 =	vld [tilespmem:s25+$0x6800]  }
0x193: {  	v48 =	vld [tilespmem:s22+$0x4800];
	_ =	sdelay $0x4  }
0x194: {  	v3 =	vadd.f32 v48, v3;
	_ =	sdelay $0x1  }
0x195: {  	[tilespmem:s25+$0x6800] =	vst v3;
	v3 =	vld [tilespmem:s25+$0x6810]  }
0x196: {  	v49 =	vld [tilespmem:s22+$0x4810];
	_ =	sdelay $0x4  }
0x197: {  	v3 =	vadd.f32 v49, v3;
	_ =	sdelay $0x1  }
0x198: {  	[tilespmem:s25+$0x6810] =	vst v3;
	v3 =	vld [tilespmem:s25+$0x6820]  }
0x199: {  	v50 =	vld [tilespmem:s22+$0x4820];
	_ =	sdelay $0x4  }
0x19a: {  	v3 =	vadd.f32 v50, v3;
	_ =	sdelay $0x1  }
0x19b: {  	[tilespmem:s25+$0x6820] =	vst v3;
	v3 =	vld [tilespmem:s25+$0x6830]  }
0x19c: {  	v51 =	vld [tilespmem:s22+$0x4830];
	_ =	sdelay $0x4  }
0x19d: {  	v3 =	vadd.f32 v51, v3;
	_ =	sdelay $0x1  }
0x19e: {  	[tilespmem:s25+$0x6830] =	vst v3;
	v3 =	vld [tilespmem:s25+$0x6840]  }
0x19f: {  	v52 =	vld [tilespmem:s22+$0x4840];
	_ =	sdelay $0x4  }
0x1a0: {  	v3 =	vadd.f32 v52, v3;
	_ =	sdelay $0x1  }
0x1a1: {  	[tilespmem:s25+$0x6840] =	vst v3;
	v3 =	vld [tilespmem:s25+$0x6850]  }
0x1a2: {  	v53 =	vld [tilespmem:s22+$0x4850];
	_ =	sdelay $0x4  }
0x1a3: {  	v3 =	vadd.f32 v53, v3;
	_ =	sdelay $0x1  }
0x1a4: {  	[tilespmem:s25+$0x6850] =	vst v3;
	v3 =	vld [tilespmem:s25+$0x6860]  }
0x1a5: {  	v54 =	vld [tilespmem:s22+$0x4860];
	_ =	sdelay $0x4  }
0x1a6: {  	v3 =	vadd.f32 v54, v3;
	_ =	sdelay $0x1  }
0x1a7: {  	[tilespmem:s25+$0x6860] =	vst v3;
	v3 =	vld [tilespmem:s25+$0x6870]  }
0x1a8: {  	v55 =	vld [tilespmem:s22+$0x4870];
	_ =	sdelay $0x4  }
0x1a9: {  	v3 =	vadd.f32 v55, v3;
	_ =	sdelay $0x1  }
0x1aa: {  	[tilespmem:s25+$0x6870] =	vst v3;
	v3 =	vld [tilespmem:s25+$0x6C00]  }
0x1ab: {  	v56 =	vld [tilespmem:s22+$0x4C00];
	_ =	sdelay $0x4  }
0x1ac: {  	v3 =	vadd.f32 v56, v3;
	_ =	sdelay $0x1  }
0x1ad: {  	[tilespmem:s25+$0x6C00] =	vst v3;
	v3 =	vld [tilespmem:s25+$0x6C10]  }
0x1ae: {  	v57 =	vld [tilespmem:s22+$0x4C10];
	_ =	sdelay $0x4  }
0x1af: {  	v3 =	vadd.f32 v57, v3;
	_ =	sdelay $0x1  }
0x1b0: {  	[tilespmem:s25+$0x6C10] =	vst v3;
	v3 =	vld [tilespmem:s25+$0x6C20]  }
0x1b1: {  	v58 =	vld [tilespmem:s22+$0x4C20];
	_ =	sdelay $0x4  }
0x1b2: {  	v3 =	vadd.f32 v58, v3;
	_ =	sdelay $0x1  }
0x1b3: {  	[tilespmem:s25+$0x6C20] =	vst v3;
	v3 =	vld [tilespmem:s25+$0x6C30]  }
0x1b4: {  	v59 =	vld [tilespmem:s22+$0x4C30];
	_ =	sdelay $0x4  }
0x1b5: {  	v3 =	vadd.f32 v59, v3;
	_ =	sdelay $0x1  }
0x1b6: {  	[tilespmem:s25+$0x6C30] =	vst v3;
	v3 =	vld [tilespmem:s25+$0x6C40]  }
0x1b7: {  	v60 =	vld [tilespmem:s22+$0x4C40];
	_ =	sdelay $0x4  }
0x1b8: {  	v3 =	vadd.f32 v60, v3;
	_ =	sdelay $0x1  }
0x1b9: {  	[tilespmem:s25+$0x6C40] =	vst v3;
	v3 =	vld [tilespmem:s25+$0x6C50]  }
0x1ba: {  	v61 =	vld [tilespmem:s22+$0x4C50];
	_ =	sdelay $0x4  }
0x1bb: {  	v3 =	vadd.f32 v61, v3;
	_ =	sdelay $0x1  }
0x1bc: {  	[tilespmem:s25+$0x6C50] =	vst v3;
	v3 =	vld [tilespmem:s25+$0x6C60]  }
0x1bd: {  	v62 =	vld [tilespmem:s22+$0x4C60];
	_ =	sdelay $0x4  }
0x1be: {  	v3 =	vadd.f32 v62, v3;
	_ =	sdelay $0x1  }
0x1bf: {  	[tilespmem:s25+$0x6C60] =	vst v3;
	v3 =	vld [tilespmem:s25+$0x6C70]  }
0x1c0: {  	v63 =	vld [tilespmem:s22+$0x4C70];
	_ =	sdelay $0x4  }
0x1c1: {  	v3 =	vadd.f32 v63, v3  }
0x1c2: {  	s30 =	sshll.u32 s20, $0xD;
	p0 =	seq.s32 s20, $0x3F  }
.Ltmp3:
0x1c3: {  	s22 =	sadd.s32 s30, s7;
	[tilespmem:s25+$0x6C70] =	vst v3;
	(pc) =	sbr.rel @p0 .LBB2_6-.Ltmp3, $4  }
0x1c4: {  	[hbm4b:s22+s4] =	stream.linear.scatter [tilespmem:s11], [sflag:$0x3], $0x8000, $0x38;
	[tilespmem:$0x16000] =	vst v63  }
0x1c5: {  	_ =	swait.ge [sflag:s9], $0x8000  }
0x1c6: {  	[sflag:s9] =	ssyncset.done $0x0  }
0x1c7: {  	s21 =	sshll.u32 s20, $0xA;
	[sflag:s9] =	ssyncadd.s32 $0xFFFF8000  }
0x1c8: {  	s23 =	sshrl.u32 s21, $0x2  }
0x1c9: {  	v3 =	vld [tilespmem:s23+$0x100];
	_ =	sdelay $0x4  }
0x1ca: {  	v4 =	vshll.u32 v3, $0x2  }
0x1cb: {  	v3 =	vand.u32 $0x7, v3;
	v4 =	vand.u32 $0xFFFFFFE0, v4  }
0x1cc: {  	v3 =	vor.u32 v3, v4  }
0x1cd: {  	v4 =	vperm.xlane v3, v0;
	_ =	sdelay $0x1  }
0x1ce: {  	v4 =	vadd.s32 v1, v4;
	_ =	sdelay $0x1  }
0x1cf: {  	v3 =	vperm.xlane v3, v2;
	_ =	sdelay $0x1  }
0x1d0: {  	v3 =	vadd.s32 v1, v3  }
0x1d1: {  	[tilespmem:s11], [sflag:$0x1] =	stream.indirect_vreg.gather [hbm4b:s3+s4], $0x80, v4, vm0, $0xb8;
	[tilespmem:$0x16000] =	vst v63  }
0x1d2: {  	s24 =	simm.s32 $0x6800  }
0x1d3: {  	[tilespmem:s24], [sflag:$0x1] =	stream.indirect_vreg.gather [hbm4b:s6+s4], $0x80, v4, vm0, $0xb8;
	[tilespmem:$0x16000] =	vst v63  }
0x1d4: {  	s29 =	simm.s32 $0x7000  }
0x1d5: {  	[tilespmem:s29], [sflag:$0x1] =	stream.indirect_vreg.gather [hbm4b:s3+s4], $0x80, v3, vm0, $0xb8;
	[tilespmem:$0x16000] =	vst v63  }
0x1d6: {  	s30 =	simm.s32 $0x7800  }
0x1d7: {  	[tilespmem:s30], [sflag:$0x1] =	stream.indirect_vreg.gather [hbm4b:s6+s4], $0x80, v3, vm0, $0xb8;
	[tilespmem:$0x16000] =	vst v63  }
0x1d8: {  	v3 =	vld [tilespmem:s23+$0x110];
	_ =	sdelay $0x4  }
0x1d9: {  	v61 =	vshll.u32 v3, $0x2  }
0x1da: {  	v3 =	vand.u32 $0x7, v3;
	v4 =	vand.u32 $0xFFFFFFE0, v61  }
0x1db: {  	v3 =	vor.u32 v3, v4  }
0x1dc: {  	v4 =	vperm.xlane v3, v0;
	_ =	sdelay $0x1  }
0x1dd: {  	v4 =	vadd.s32 v1, v4;
	_ =	sdelay $0x1  }
0x1de: {  	v3 =	vperm.xlane v3, v2;
	_ =	sdelay $0x1  }
0x1df: {  	s25 =	simm.s32 $0x8000;
	v3 =	vadd.s32 v1, v3  }
0x1e0: {  	[tilespmem:s25], [sflag:$0x1] =	stream.indirect_vreg.gather [hbm4b:s3+s4], $0x80, v4, vm0, $0xb8;
	[tilespmem:$0x16000] =	vst v63  }
0x1e1: {  	s26 =	simm.s32 $0x8800  }
0x1e2: {  	[tilespmem:s26], [sflag:$0x1] =	stream.indirect_vreg.gather [hbm4b:s6+s4], $0x80, v4, vm0, $0xb8;
	[tilespmem:$0x16000] =	vst v63  }
0x1e3: {  	s29 =	simm.s32 $0x9000  }
0x1e4: {  	[tilespmem:s29], [sflag:$0x1] =	stream.indirect_vreg.gather [hbm4b:s3+s4], $0x80, v3, vm0, $0xb8;
	[tilespmem:$0x16000] =	vst v63  }
0x1e5: {  	s30 =	simm.s32 $0x9800  }
0x1e6: {  	[tilespmem:s30], [sflag:$0x1] =	stream.indirect_vreg.gather [hbm4b:s6+s4], $0x80, v3, vm0, $0xb8;
	[tilespmem:$0x16000] =	vst v63  }
0x1e7: {  	v3 =	vld [tilespmem:s23+$0x120];
	_ =	sdelay $0x4  }
0x1e8: {  	v62 =	vshll.u32 v3, $0x2  }
0x1e9: {  	v3 =	vand.u32 $0x7, v3;
	v4 =	vand.u32 $0xFFFFFFE0, v62  }
0x1ea: {  	v3 =	vor.u32 v3, v4  }
0x1eb: {  	v4 =	vperm.xlane v3, v0;
	_ =	sdelay $0x1  }
0x1ec: {  	v4 =	vadd.s32 v1, v4;
	_ =	sdelay $0x1  }
0x1ed: {  	v3 =	vperm.xlane v3, v2;
	_ =	sdelay $0x1  }
0x1ee: {  	s25 =	simm.s32 $0xA000;
	v3 =	vadd.s32 v1, v3  }
0x1ef: {  	[tilespmem:s25], [sflag:$0x1] =	stream.indirect_vreg.gather [hbm4b:s3+s4], $0x80, v4, vm0, $0xb8;
	[tilespmem:$0x16000] =	vst v63  }
0x1f0: {  	s26 =	simm.s32 $0xA800  }
0x1f1: {  	[tilespmem:s26], [sflag:$0x1] =	stream.indirect_vreg.gather [hbm4b:s6+s4], $0x80, v4, vm0, $0xb8;
	[tilespmem:$0x16000] =	vst v63  }
0x1f2: {  	s29 =	simm.s32 $0xB000  }
0x1f3: {  	[tilespmem:s29], [sflag:$0x1] =	stream.indirect_vreg.gather [hbm4b:s3+s4], $0x80, v3, vm0, $0xb8;
	[tilespmem:$0x16000] =	vst v63  }
0x1f4: {  	s30 =	simm.s32 $0xB800  }
0x1f5: {  	[tilespmem:s30], [sflag:$0x1] =	stream.indirect_vreg.gather [hbm4b:s6+s4], $0x80, v3, vm0, $0xb8;
	[tilespmem:$0x16000] =	vst v63  }
0x1f6: {  	v3 =	vld [tilespmem:s23+$0x130];
	_ =	sdelay $0x4  }
0x1f7: {  	v63 =	vshll.u32 v3, $0x2  }
0x1f8: {  	v3 =	vand.u32 $0x7, v3;
	v4 =	vand.u32 $0xFFFFFFE0, v63  }
0x1f9: {  	v3 =	vor.u32 v3, v4  }
0x1fa: {  	v4 =	vperm.xlane v3, v0;
	_ =	sdelay $0x1  }
0x1fb: {  	v4 =	vadd.s32 v1, v4;
	_ =	sdelay $0x1  }
0x1fc: {  	v3 =	vperm.xlane v3, v2;
	_ =	sdelay $0x1  }
0x1fd: {  	s25 =	simm.s32 $0xC000;
	v3 =	vadd.s32 v1, v3  }
0x1fe: {  	[tilespmem:s25], [sflag:$0x1] =	stream.indirect_vreg.gather [hbm4b:s3+s4], $0x80, v4, vm0, $0xb8;
	[tilespmem:$0x16000] =	vst v63  }
0x1ff: {  	s26 =	simm.s32 $0xC800  }
0x200: {  	[tilespmem:s26], [sflag:$0x1] =	stream.indirect_vreg.gather [hbm4b:s6+s4], $0x80, v4, vm0, $0xb8;
	[tilespmem:$0x16000] =	vst v63  }
0x201: {  	s29 =	simm.s32 $0xD000  }
0x202: {  	[tilespmem:s29], [sflag:$0x1] =	stream.indirect_vreg.gather [hbm4b:s3+s4], $0x80, v3, vm0, $0xb8;
	[tilespmem:$0x16000] =	vst v63  }
0x203: {  	s30 =	simm.s32 $0xD800  }
0x204: {  	[tilespmem:s30], [sflag:$0x1] =	stream.indirect_vreg.gather [hbm4b:s6+s4], $0x80, v3, vm0, $0xb8;
	[tilespmem:$0x16000] =	vst v63  }
.LBB2_6:
0x205: {  	_ =	swait.ge [sflag:s19], $0x8000;
	s24 =	simm.s32 $0x0  }
0x206: {  	[sflag:s19] =	ssyncset.done $0x0;
	s23 =	sand.u32 $0x7000, s24;
	s25 =	sand.u32 $0x380, s24  }
0x207: {  	s24 =	sand.u32 $0x1000, s24;
	[sflag:s19] =	ssyncadd.s32 $0xFFFF8000;
	s23 =	sor.u32 s25, s23  }
0x208: {  	s24 =	sor.u32 s25, s24;
	v3 =	vld [tilespmem:s23+$0xE000]  }
0x209: {  	v4 =	vld [tilespmem:s24+$0x4000];
	_ =	sdelay $0x4  }
0x20a: {  	v3 =	vadd.f32 v4, v3;
	_ =	sdelay $0x1  }
0x20b: {  	[tilespmem:s23+$0xE000] =	vst v3;
	v3 =	vld [tilespmem:s23+$0xE010]  }
0x20c: {  	v4 =	vld [tilespmem:s24+$0x4010];
	_ =	sdelay $0x4  }
0x20d: {  	v3 =	vadd.f32 v4, v3;
	_ =	sdelay $0x1  }
0x20e: {  	[tilespmem:s23+$0xE010] =	vst v3;
	v3 =	vld [tilespmem:s23+$0xE020]  }
0x20f: {  	v4 =	vld [tilespmem:s24+$0x4020];
	_ =	sdelay $0x4  }
0x210: {  	v3 =	vadd.f32 v4, v3;
	_ =	sdelay $0x1  }
0x211: {  	[tilespmem:s23+$0xE020] =	vst v3;
	v3 =	vld [tilespmem:s23+$0xE030]  }
0x212: {  	v4 =	vld [tilespmem:s24+$0x4030];
	_ =	sdelay $0x4  }
0x213: {  	v3 =	vadd.f32 v4, v3;
	_ =	sdelay $0x1  }
0x214: {  	[tilespmem:s23+$0xE030] =	vst v3;
	v3 =	vld [tilespmem:s23+$0xE040]  }
0x215: {  	v4 =	vld [tilespmem:s24+$0x4040];
	_ =	sdelay $0x4  }
0x216: {  	v3 =	vadd.f32 v4, v3;
	_ =	sdelay $0x1  }
0x217: {  	[tilespmem:s23+$0xE040] =	vst v3;
	v3 =	vld [tilespmem:s23+$0xE050]  }
0x218: {  	v4 =	vld [tilespmem:s24+$0x4050];
	_ =	sdelay $0x4  }
0x219: {  	v3 =	vadd.f32 v4, v3;
	_ =	sdelay $0x1  }
0x21a: {  	[tilespmem:s23+$0xE050] =	vst v3;
	v3 =	vld [tilespmem:s23+$0xE060]  }
0x21b: {  	v4 =	vld [tilespmem:s24+$0x4060];
	_ =	sdelay $0x4  }
0x21c: {  	v3 =	vadd.f32 v4, v3;
	_ =	sdelay $0x1  }
0x21d: {  	[tilespmem:s23+$0xE060] =	vst v3;
	v3 =	vld [tilespmem:s23+$0xE070]  }
0x21e: {  	v4 =	vld [tilespmem:s24+$0x4070];
	_ =	sdelay $0x4  }
0x21f: {  	v3 =	vadd.f32 v4, v3;
	_ =	sdelay $0x1  }
0x220: {  	[tilespmem:s23+$0xE070] =	vst v3;
	v3 =	vld [tilespmem:s23+$0xE400]  }
0x221: {  	v4 =	vld [tilespmem:s24+$0x4400];
	_ =	sdelay $0x4  }
0x222: {  	v3 =	vadd.f32 v4, v3;
	_ =	sdelay $0x1  }
0x223: {  	[tilespmem:s23+$0xE400] =	vst v3;
	v3 =	vld [tilespmem:s23+$0xE410]  }
0x224: {  	v4 =	vld [tilespmem:s24+$0x4410];
	_ =	sdelay $0x4  }
0x225: {  	v3 =	vadd.f32 v4, v3;
	_ =	sdelay $0x1  }
0x226: {  	[tilespmem:s23+$0xE410] =	vst v3;
	v3 =	vld [tilespmem:s23+$0xE420]  }
0x227: {  	v4 =	vld [tilespmem:s24+$0x4420];
	_ =	sdelay $0x4  }
0x228: {  	v3 =	vadd.f32 v4, v3;
	_ =	sdelay $0x1  }
0x229: {  	[tilespmem:s23+$0xE420] =	vst v3;
	v3 =	vld [tilespmem:s23+$0xE430]  }
0x22a: {  	v4 =	vld [tilespmem:s24+$0x4430];
	_ =	sdelay $0x4  }
0x22b: {  	v3 =	vadd.f32 v4, v3;
	_ =	sdelay $0x1  }
0x22c: {  	[tilespmem:s23+$0xE430] =	vst v3;
	v3 =	vld [tilespmem:s23+$0xE440]  }
0x22d: {  	v4 =	vld [tilespmem:s24+$0x4440];
	_ =	sdelay $0x4  }
0x22e: {  	v3 =	vadd.f32 v4, v3;
	_ =	sdelay $0x1  }
0x22f: {  	[tilespmem:s23+$0xE440] =	vst v3;
	v3 =	vld [tilespmem:s23+$0xE450]  }
0x230: {  	v4 =	vld [tilespmem:s24+$0x4450];
	_ =	sdelay $0x4  }
0x231: {  	v3 =	vadd.f32 v4, v3;
	_ =	sdelay $0x1  }
0x232: {  	[tilespmem:s23+$0xE450] =	vst v3;
	v3 =	vld [tilespmem:s23+$0xE460]  }
0x233: {  	v4 =	vld [tilespmem:s24+$0x4460];
	_ =	sdelay $0x4  }
0x234: {  	v3 =	vadd.f32 v4, v3;
	_ =	sdelay $0x1  }
0x235: {  	[tilespmem:s23+$0xE460] =	vst v3;
	v3 =	vld [tilespmem:s23+$0xE470]  }
0x236: {  	v4 =	vld [tilespmem:s24+$0x4470];
	_ =	sdelay $0x4  }
0x237: {  	v3 =	vadd.f32 v4, v3;
	_ =	sdelay $0x1  }
0x238: {  	[tilespmem:s23+$0xE470] =	vst v3;
	v3 =	vld [tilespmem:s23+$0xE800]  }
0x239: {  	v4 =	vld [tilespmem:s24+$0x4800];
	_ =	sdelay $0x4  }
0x23a: {  	v3 =	vadd.f32 v4, v3;
	_ =	sdelay $0x1  }
0x23b: {  	[tilespmem:s23+$0xE800] =	vst v3;
	v3 =	vld [tilespmem:s23+$0xE810]  }
0x23c: {  	v4 =	vld [tilespmem:s24+$0x4810];
	_ =	sdelay $0x4  }
0x23d: {  	v3 =	vadd.f32 v4, v3;
	_ =	sdelay $0x1  }
0x23e: {  	[tilespmem:s23+$0xE810] =	vst v3;
	v3 =	vld [tilespmem:s23+$0xE820]  }
0x23f: {  	v4 =	vld [tilespmem:s24+$0x4820];
	_ =	sdelay $0x4  }
0x240: {  	v3 =	vadd.f32 v4, v3;
	_ =	sdelay $0x1  }
0x241: {  	[tilespmem:s23+$0xE820] =	vst v3;
	v3 =	vld [tilespmem:s23+$0xE830]  }
0x242: {  	v4 =	vld [tilespmem:s24+$0x4830];
	_ =	sdelay $0x4  }
0x243: {  	v3 =	vadd.f32 v4, v3;
	_ =	sdelay $0x1  }
0x244: {  	[tilespmem:s23+$0xE830] =	vst v3;
	v3 =	vld [tilespmem:s23+$0xE840]  }
0x245: {  	v4 =	vld [tilespmem:s24+$0x4840];
	_ =	sdelay $0x4  }
0x246: {  	v3 =	vadd.f32 v4, v3;
	_ =	sdelay $0x1  }
0x247: {  	[tilespmem:s23+$0xE840] =	vst v3;
	v3 =	vld [tilespmem:s23+$0xE850]  }
0x248: {  	v4 =	vld [tilespmem:s24+$0x4850];
	_ =	sdelay $0x4  }
0x249: {  	v3 =	vadd.f32 v4, v3;
	_ =	sdelay $0x1  }
0x24a: {  	[tilespmem:s23+$0xE850] =	vst v3;
	v3 =	vld [tilespmem:s23+$0xE860]  }
0x24b: {  	v4 =	vld [tilespmem:s24+$0x4860];
	_ =	sdelay $0x4  }
0x24c: {  	v3 =	vadd.f32 v4, v3;
	_ =	sdelay $0x1  }
0x24d: {  	[tilespmem:s23+$0xE860] =	vst v3;
	v3 =	vld [tilespmem:s23+$0xE870]  }
0x24e: {  	v4 =	vld [tilespmem:s24+$0x4870];
	_ =	sdelay $0x4  }
0x24f: {  	v3 =	vadd.f32 v4, v3;
	_ =	sdelay $0x1  }
0x250: {  	[tilespmem:s23+$0xE870] =	vst v3;
	v3 =	vld [tilespmem:s23+$0xEC00]  }
0x251: {  	v4 =	vld [tilespmem:s24+$0x4C00];
	_ =	sdelay $0x4  }
0x252: {  	v3 =	vadd.f32 v4, v3;
	_ =	sdelay $0x1  }
0x253: {  	[tilespmem:s23+$0xEC00] =	vst v3;
	v3 =	vld [tilespmem:s23+$0xEC10]  }
0x254: {  	v4 =	vld [tilespmem:s24+$0x4C10];
	_ =	sdelay $0x4  }
0x255: {  	v3 =	vadd.f32 v4, v3;
	_ =	sdelay $0x1  }
0x256: {  	[tilespmem:s23+$0xEC10] =	vst v3;
	v3 =	vld [tilespmem:s23+$0xEC20]  }
0x257: {  	v4 =	vld [tilespmem:s24+$0x4C20];
	_ =	sdelay $0x4  }
0x258: {  	v3 =	vadd.f32 v4, v3;
	_ =	sdelay $0x1  }
0x259: {  	[tilespmem:s23+$0xEC20] =	vst v3;
	v3 =	vld [tilespmem:s23+$0xEC30]  }
0x25a: {  	v4 =	vld [tilespmem:s24+$0x4C30];
	_ =	sdelay $0x4  }
0x25b: {  	v3 =	vadd.f32 v4, v3;
	_ =	sdelay $0x1  }
0x25c: {  	[tilespmem:s23+$0xEC30] =	vst v3;
	v3 =	vld [tilespmem:s23+$0xEC40]  }
0x25d: {  	v4 =	vld [tilespmem:s24+$0x4C40];
	_ =	sdelay $0x4  }
0x25e: {  	v3 =	vadd.f32 v4, v3;
	_ =	sdelay $0x1  }
0x25f: {  	[tilespmem:s23+$0xEC40] =	vst v3;
	v3 =	vld [tilespmem:s23+$0xEC50]  }
0x260: {  	v4 =	vld [tilespmem:s24+$0x4C50];
	_ =	sdelay $0x4  }
0x261: {  	v3 =	vadd.f32 v4, v3;
	_ =	sdelay $0x1  }
0x262: {  	[tilespmem:s23+$0xEC50] =	vst v3;
	v3 =	vld [tilespmem:s23+$0xEC60]  }
0x263: {  	v4 =	vld [tilespmem:s24+$0x4C60];
	_ =	sdelay $0x4  }
0x264: {  	v3 =	vadd.f32 v4, v3;
	_ =	sdelay $0x1  }
0x265: {  	[tilespmem:s23+$0xEC60] =	vst v3;
	v3 =	vld [tilespmem:s23+$0xEC70]  }
0x266: {  	v4 =	vld [tilespmem:s24+$0x4C70];
	_ =	sdelay $0x3  }
0x267: {  	s25 =	simm.s32 $0x200;
	s24 =	simm.s32 $0x80  }
0x268: {  	s29 =	sand.u32 $0x7000, s25;
	s26 =	sand.u32 $0x380, s24;
	v3 =	vadd.f32 v4, v3  }
0x269: {  	s30 =	sand.u32 $0x1000, s25;
	s25 =	simm.s32 $0x400;
	s29 =	sor.u32 s26, s29  }
.LBB2_7:
0x26a: {  	p1 =	sne.s32 s25, $0x7E00;
	v4 =	vld [tilespmem:s29+$0xE000];
	s26 =	sor.u32 s26, s30;
	[tilespmem:s23+$0xEC70] =	vst v3;
	s23 =	smov.u32 s29  }
0x26b: {  	v3 =	vld [tilespmem:s26+$0x4000];
	_ =	sdelay $0x4  }
0x26c: {  	v3 =	vadd.f32 v3, v4;
	_ =	sdelay $0x1  }
0x26d: {  	[tilespmem:s23+$0xE000] =	vst v3;
	v3 =	vld [tilespmem:s23+$0xE010]  }
0x26e: {  	v4 =	vld [tilespmem:s26+$0x4010];
	_ =	sdelay $0x4  }
0x26f: {  	v3 =	vadd.f32 v4, v3;
	_ =	sdelay $0x1  }
0x270: {  	[tilespmem:s23+$0xE010] =	vst v3;
	v3 =	vld [tilespmem:s23+$0xE020]  }
0x271: {  	v4 =	vld [tilespmem:s26+$0x4020];
	_ =	sdelay $0x4  }
0x272: {  	v3 =	vadd.f32 v4, v3;
	_ =	sdelay $0x1  }
0x273: {  	[tilespmem:s23+$0xE020] =	vst v3;
	v3 =	vld [tilespmem:s23+$0xE030]  }
0x274: {  	v4 =	vld [tilespmem:s26+$0x4030];
	_ =	sdelay $0x4  }
0x275: {  	v3 =	vadd.f32 v4, v3;
	_ =	sdelay $0x1  }
0x276: {  	[tilespmem:s23+$0xE030] =	vst v3;
	v3 =	vld [tilespmem:s23+$0xE040]  }
0x277: {  	v4 =	vld [tilespmem:s26+$0x4040];
	_ =	sdelay $0x4  }
0x278: {  	v3 =	vadd.f32 v4, v3;
	_ =	sdelay $0x1  }
0x279: {  	[tilespmem:s23+$0xE040] =	vst v3;
	v3 =	vld [tilespmem:s23+$0xE050]  }
0x27a: {  	v4 =	vld [tilespmem:s26+$0x4050];
	_ =	sdelay $0x4  }
0x27b: {  	v3 =	vadd.f32 v4, v3;
	_ =	sdelay $0x1  }
0x27c: {  	[tilespmem:s23+$0xE050] =	vst v3;
	v3 =	vld [tilespmem:s23+$0xE060]  }
0x27d: {  	v4 =	vld [tilespmem:s26+$0x4060];
	_ =	sdelay $0x4  }
0x27e: {  	v3 =	vadd.f32 v4, v3;
	_ =	sdelay $0x1  }
0x27f: {  	[tilespmem:s23+$0xE060] =	vst v3;
	v3 =	vld [tilespmem:s23+$0xE070]  }
0x280: {  	v4 =	vld [tilespmem:s26+$0x4070];
	_ =	sdelay $0x4  }
0x281: {  	v3 =	vadd.f32 v4, v3;
	_ =	sdelay $0x1  }
0x282: {  	[tilespmem:s23+$0xE070] =	vst v3;
	v3 =	vld [tilespmem:s23+$0xE400]  }
0x283: {  	v4 =	vld [tilespmem:s26+$0x4400];
	_ =	sdelay $0x4  }
0x284: {  	v3 =	vadd.f32 v4, v3;
	_ =	sdelay $0x1  }
0x285: {  	[tilespmem:s23+$0xE400] =	vst v3;
	v3 =	vld [tilespmem:s23+$0xE410]  }
0x286: {  	v4 =	vld [tilespmem:s26+$0x4410];
	_ =	sdelay $0x4  }
0x287: {  	v3 =	vadd.f32 v4, v3;
	_ =	sdelay $0x1  }
0x288: {  	[tilespmem:s23+$0xE410] =	vst v3;
	v3 =	vld [tilespmem:s23+$0xE420]  }
0x289: {  	v4 =	vld [tilespmem:s26+$0x4420];
	_ =	sdelay $0x4  }
0x28a: {  	v3 =	vadd.f32 v4, v3;
	_ =	sdelay $0x1  }
0x28b: {  	[tilespmem:s23+$0xE420] =	vst v3;
	v3 =	vld [tilespmem:s23+$0xE430]  }
0x28c: {  	v4 =	vld [tilespmem:s26+$0x4430];
	_ =	sdelay $0x4  }
0x28d: {  	v3 =	vadd.f32 v4, v3;
	_ =	sdelay $0x1  }
0x28e: {  	[tilespmem:s23+$0xE430] =	vst v3;
	v3 =	vld [tilespmem:s23+$0xE440]  }
0x28f: {  	v4 =	vld [tilespmem:s26+$0x4440];
	_ =	sdelay $0x4  }
0x290: {  	v3 =	vadd.f32 v4, v3;
	_ =	sdelay $0x1  }
0x291: {  	[tilespmem:s23+$0xE440] =	vst v3;
	v3 =	vld [tilespmem:s23+$0xE450]  }
0x292: {  	v4 =	vld [tilespmem:s26+$0x4450];
	_ =	sdelay $0x4  }
0x293: {  	v3 =	vadd.f32 v4, v3;
	_ =	sdelay $0x1  }
0x294: {  	[tilespmem:s23+$0xE450] =	vst v3;
	v3 =	vld [tilespmem:s23+$0xE460]  }
0x295: {  	v4 =	vld [tilespmem:s26+$0x4460];
	_ =	sdelay $0x4  }
0x296: {  	v3 =	vadd.f32 v4, v3;
	_ =	sdelay $0x1  }
0x297: {  	[tilespmem:s23+$0xE460] =	vst v3;
	v3 =	vld [tilespmem:s23+$0xE470]  }
0x298: {  	v4 =	vld [tilespmem:s26+$0x4470];
	_ =	sdelay $0x4  }
0x299: {  	v3 =	vadd.f32 v4, v3;
	_ =	sdelay $0x1  }
0x29a: {  	[tilespmem:s23+$0xE470] =	vst v3;
	v3 =	vld [tilespmem:s23+$0xE800]  }
0x29b: {  	v4 =	vld [tilespmem:s26+$0x4800];
	_ =	sdelay $0x4  }
0x29c: {  	v3 =	vadd.f32 v4, v3;
	_ =	sdelay $0x1  }
0x29d: {  	[tilespmem:s23+$0xE800] =	vst v3;
	v3 =	vld [tilespmem:s23+$0xE810]  }
0x29e: {  	v4 =	vld [tilespmem:s26+$0x4810];
	_ =	sdelay $0x4  }
0x29f: {  	v3 =	vadd.f32 v4, v3;
	_ =	sdelay $0x1  }
0x2a0: {  	[tilespmem:s23+$0xE810] =	vst v3;
	v3 =	vld [tilespmem:s23+$0xE820]  }
0x2a1: {  	v4 =	vld [tilespmem:s26+$0x4820];
	_ =	sdelay $0x4  }
0x2a2: {  	v3 =	vadd.f32 v4, v3;
	_ =	sdelay $0x1  }
0x2a3: {  	[tilespmem:s23+$0xE820] =	vst v3;
	v3 =	vld [tilespmem:s23+$0xE830]  }
0x2a4: {  	v4 =	vld [tilespmem:s26+$0x4830];
	_ =	sdelay $0x4  }
0x2a5: {  	v3 =	vadd.f32 v4, v3;
	_ =	sdelay $0x1  }
0x2a6: {  	[tilespmem:s23+$0xE830] =	vst v3;
	v3 =	vld [tilespmem:s23+$0xE840]  }
0x2a7: {  	v4 =	vld [tilespmem:s26+$0x4840];
	_ =	sdelay $0x4  }
0x2a8: {  	v3 =	vadd.f32 v4, v3;
	_ =	sdelay $0x1  }
0x2a9: {  	[tilespmem:s23+$0xE840] =	vst v3;
	v3 =	vld [tilespmem:s23+$0xE850]  }
0x2aa: {  	v4 =	vld [tilespmem:s26+$0x4850];
	_ =	sdelay $0x4  }
0x2ab: {  	v3 =	vadd.f32 v4, v3;
	_ =	sdelay $0x1  }
0x2ac: {  	[tilespmem:s23+$0xE850] =	vst v3;
	v3 =	vld [tilespmem:s23+$0xE860]  }
0x2ad: {  	v4 =	vld [tilespmem:s26+$0x4860];
	_ =	sdelay $0x4  }
0x2ae: {  	v3 =	vadd.f32 v4, v3;
	_ =	sdelay $0x1  }
0x2af: {  	[tilespmem:s23+$0xE860] =	vst v3;
	v3 =	vld [tilespmem:s23+$0xE870]  }
0x2b0: {  	v4 =	vld [tilespmem:s26+$0x4870];
	_ =	sdelay $0x4  }
0x2b1: {  	v3 =	vadd.f32 v4, v3;
	_ =	sdelay $0x1  }
0x2b2: {  	[tilespmem:s23+$0xE870] =	vst v3;
	v3 =	vld [tilespmem:s23+$0xEC00]  }
0x2b3: {  	v4 =	vld [tilespmem:s26+$0x4C00];
	_ =	sdelay $0x4  }
0x2b4: {  	v3 =	vadd.f32 v4, v3;
	_ =	sdelay $0x1  }
0x2b5: {  	[tilespmem:s23+$0xEC00] =	vst v3;
	v3 =	vld [tilespmem:s23+$0xEC10]  }
0x2b6: {  	v4 =	vld [tilespmem:s26+$0x4C10];
	_ =	sdelay $0x4  }
0x2b7: {  	v3 =	vadd.f32 v4, v3;
	_ =	sdelay $0x1  }
0x2b8: {  	[tilespmem:s23+$0xEC10] =	vst v3;
	v3 =	vld [tilespmem:s23+$0xEC20]  }
0x2b9: {  	v4 =	vld [tilespmem:s26+$0x4C20];
	_ =	sdelay $0x4  }
0x2ba: {  	v3 =	vadd.f32 v4, v3;
	_ =	sdelay $0x1  }
0x2bb: {  	[tilespmem:s23+$0xEC20] =	vst v3;
	v3 =	vld [tilespmem:s23+$0xEC30]  }
0x2bc: {  	v4 =	vld [tilespmem:s26+$0x4C30];
	_ =	sdelay $0x4  }
0x2bd: {  	v3 =	vadd.f32 v4, v3;
	_ =	sdelay $0x1  }
0x2be: {  	[tilespmem:s23+$0xEC30] =	vst v3;
	v3 =	vld [tilespmem:s23+$0xEC40]  }
0x2bf: {  	v4 =	vld [tilespmem:s26+$0x4C40];
	_ =	sdelay $0x4  }
0x2c0: {  	v3 =	vadd.f32 v4, v3;
	_ =	sdelay $0x1  }
0x2c1: {  	[tilespmem:s23+$0xEC40] =	vst v3;
	v3 =	vld [tilespmem:s23+$0xEC50]  }
0x2c2: {  	v4 =	vld [tilespmem:s26+$0x4C50];
	_ =	sdelay $0x4  }
0x2c3: {  	v3 =	vadd.f32 v4, v3;
	_ =	sdelay $0x1  }
0x2c4: {  	[tilespmem:s23+$0xEC50] =	vst v3;
	v3 =	vld [tilespmem:s23+$0xEC60]  }
0x2c5: {  	v4 =	vld [tilespmem:s26+$0x4C60];
	_ =	sdelay $0x4  }
0x2c6: {  	v3 =	vadd.f32 v4, v3;
	_ =	sdelay $0x1  }
0x2c7: {  	[tilespmem:s23+$0xEC60] =	vst v3;
	v3 =	vld [tilespmem:s23+$0xEC70]  }
0x2c8: {  	v4 =	vld [tilespmem:s26+$0x4C70];
	_ =	sdelay $0x1  }
.Ltmp4:
0x2c9: {  	(pc) =	sbr.rel @p1 .LBB2_7-.Ltmp4, $4  }
0x2ca: {  	_ = 	snop  }
0x2cb: {  	s24 =	sadd.s32 $0x80, s24  }
0x2cc: {  	s29 =	sand.u32 $0x7000, s25;
	s26 =	sand.u32 $0x380, s24;
	v3 =	vadd.f32 v4, v3  }
0x2cd: {  	s30 =	sand.u32 $0x1000, s25;
	s25 =	sadd.s32 $0x200, s25;
	s29 =	sor.u32 s26, s29  }
0x2ce: {  	v4 =	vld [tilespmem:s29+$0xE000];
	s24 =	sor.u32 s26, s30;
	[tilespmem:s23+$0xEC70] =	vst v3  }
0x2cf: {  	v3 =	vld [tilespmem:s24+$0x4000];
	_ =	sdelay $0x4  }
0x2d0: {  	v3 =	vadd.f32 v3, v4;
	_ =	sdelay $0x1  }
0x2d1: {  	[tilespmem:s29+$0xE000] =	vst v3;
	v3 =	vld [tilespmem:s29+$0xE010]  }
0x2d2: {  	v33 =	vld [tilespmem:s24+$0x4010];
	_ =	sdelay $0x4  }
0x2d3: {  	v3 =	vadd.f32 v33, v3;
	_ =	sdelay $0x1  }
0x2d4: {  	[tilespmem:s29+$0xE010] =	vst v3;
	v3 =	vld [tilespmem:s29+$0xE020]  }
0x2d5: {  	v34 =	vld [tilespmem:s24+$0x4020];
	_ =	sdelay $0x4  }
0x2d6: {  	v3 =	vadd.f32 v34, v3;
	_ =	sdelay $0x1  }
0x2d7: {  	[tilespmem:s29+$0xE020] =	vst v3;
	v3 =	vld [tilespmem:s29+$0xE030]  }
0x2d8: {  	v35 =	vld [tilespmem:s24+$0x4030];
	_ =	sdelay $0x4  }
0x2d9: {  	v3 =	vadd.f32 v35, v3;
	_ =	sdelay $0x1  }
0x2da: {  	[tilespmem:s29+$0xE030] =	vst v3;
	v3 =	vld [tilespmem:s29+$0xE040]  }
0x2db: {  	v36 =	vld [tilespmem:s24+$0x4040];
	_ =	sdelay $0x4  }
0x2dc: {  	v3 =	vadd.f32 v36, v3;
	_ =	sdelay $0x1  }
0x2dd: {  	[tilespmem:s29+$0xE040] =	vst v3;
	v3 =	vld [tilespmem:s29+$0xE050]  }
0x2de: {  	v37 =	vld [tilespmem:s24+$0x4050];
	_ =	sdelay $0x4  }
0x2df: {  	v3 =	vadd.f32 v37, v3;
	_ =	sdelay $0x1  }
0x2e0: {  	[tilespmem:s29+$0xE050] =	vst v3;
	v3 =	vld [tilespmem:s29+$0xE060]  }
0x2e1: {  	v38 =	vld [tilespmem:s24+$0x4060];
	_ =	sdelay $0x4  }
0x2e2: {  	v3 =	vadd.f32 v38, v3;
	_ =	sdelay $0x1  }
0x2e3: {  	[tilespmem:s29+$0xE060] =	vst v3;
	v3 =	vld [tilespmem:s29+$0xE070]  }
0x2e4: {  	v39 =	vld [tilespmem:s24+$0x4070];
	_ =	sdelay $0x4  }
0x2e5: {  	v3 =	vadd.f32 v39, v3;
	_ =	sdelay $0x1  }
0x2e6: {  	[tilespmem:s29+$0xE070] =	vst v3;
	v3 =	vld [tilespmem:s29+$0xE400]  }
0x2e7: {  	v40 =	vld [tilespmem:s24+$0x4400];
	_ =	sdelay $0x4  }
0x2e8: {  	v3 =	vadd.f32 v40, v3;
	_ =	sdelay $0x1  }
0x2e9: {  	[tilespmem:s29+$0xE400] =	vst v3;
	v3 =	vld [tilespmem:s29+$0xE410]  }
0x2ea: {  	v41 =	vld [tilespmem:s24+$0x4410];
	_ =	sdelay $0x4  }
0x2eb: {  	v3 =	vadd.f32 v41, v3;
	_ =	sdelay $0x1  }
0x2ec: {  	[tilespmem:s29+$0xE410] =	vst v3;
	v3 =	vld [tilespmem:s29+$0xE420]  }
0x2ed: {  	v42 =	vld [tilespmem:s24+$0x4420];
	_ =	sdelay $0x4  }
0x2ee: {  	v3 =	vadd.f32 v42, v3;
	_ =	sdelay $0x1  }
0x2ef: {  	[tilespmem:s29+$0xE420] =	vst v3;
	v3 =	vld [tilespmem:s29+$0xE430]  }
0x2f0: {  	v43 =	vld [tilespmem:s24+$0x4430];
	_ =	sdelay $0x4  }
0x2f1: {  	v3 =	vadd.f32 v43, v3;
	_ =	sdelay $0x1  }
0x2f2: {  	[tilespmem:s29+$0xE430] =	vst v3;
	v3 =	vld [tilespmem:s29+$0xE440]  }
0x2f3: {  	v44 =	vld [tilespmem:s24+$0x4440];
	_ =	sdelay $0x4  }
0x2f4: {  	v3 =	vadd.f32 v44, v3;
	_ =	sdelay $0x1  }
0x2f5: {  	[tilespmem:s29+$0xE440] =	vst v3;
	v3 =	vld [tilespmem:s29+$0xE450]  }
0x2f6: {  	v45 =	vld [tilespmem:s24+$0x4450];
	_ =	sdelay $0x4  }
0x2f7: {  	v3 =	vadd.f32 v45, v3;
	_ =	sdelay $0x1  }
0x2f8: {  	[tilespmem:s29+$0xE450] =	vst v3;
	v3 =	vld [tilespmem:s29+$0xE460]  }
0x2f9: {  	v46 =	vld [tilespmem:s24+$0x4460];
	_ =	sdelay $0x4  }
0x2fa: {  	v3 =	vadd.f32 v46, v3;
	_ =	sdelay $0x1  }
0x2fb: {  	[tilespmem:s29+$0xE460] =	vst v3;
	v3 =	vld [tilespmem:s29+$0xE470]  }
0x2fc: {  	v47 =	vld [tilespmem:s24+$0x4470];
	_ =	sdelay $0x4  }
0x2fd: {  	v3 =	vadd.f32 v47, v3;
	_ =	sdelay $0x1  }
0x2fe: {  	[tilespmem:s29+$0xE470] =	vst v3;
	v3 =	vld [tilespmem:s29+$0xE800]  }
0x2ff: {  	v48 =	vld [tilespmem:s24+$0x4800];
	_ =	sdelay $0x4  }
0x300: {  	v3 =	vadd.f32 v48, v3;
	_ =	sdelay $0x1  }
0x301: {  	[tilespmem:s29+$0xE800] =	vst v3;
	v3 =	vld [tilespmem:s29+$0xE810]  }
0x302: {  	v49 =	vld [tilespmem:s24+$0x4810];
	_ =	sdelay $0x4  }
0x303: {  	v3 =	vadd.f32 v49, v3;
	_ =	sdelay $0x1  }
0x304: {  	[tilespmem:s29+$0xE810] =	vst v3;
	v3 =	vld [tilespmem:s29+$0xE820]  }
0x305: {  	v50 =	vld [tilespmem:s24+$0x4820];
	_ =	sdelay $0x4  }
0x306: {  	v3 =	vadd.f32 v50, v3;
	_ =	sdelay $0x1  }
0x307: {  	[tilespmem:s29+$0xE820] =	vst v3;
	v3 =	vld [tilespmem:s29+$0xE830]  }
0x308: {  	v51 =	vld [tilespmem:s24+$0x4830];
	_ =	sdelay $0x4  }
0x309: {  	v3 =	vadd.f32 v51, v3;
	_ =	sdelay $0x1  }
0x30a: {  	[tilespmem:s29+$0xE830] =	vst v3;
	v3 =	vld [tilespmem:s29+$0xE840]  }
0x30b: {  	v52 =	vld [tilespmem:s24+$0x4840];
	_ =	sdelay $0x4  }
0x30c: {  	v3 =	vadd.f32 v52, v3;
	_ =	sdelay $0x1  }
0x30d: {  	[tilespmem:s29+$0xE840] =	vst v3;
	v3 =	vld [tilespmem:s29+$0xE850]  }
0x30e: {  	v53 =	vld [tilespmem:s24+$0x4850];
	_ =	sdelay $0x4  }
0x30f: {  	v3 =	vadd.f32 v53, v3;
	_ =	sdelay $0x1  }
0x310: {  	[tilespmem:s29+$0xE850] =	vst v3;
	v3 =	vld [tilespmem:s29+$0xE860]  }
0x311: {  	v54 =	vld [tilespmem:s24+$0x4860];
	_ =	sdelay $0x4  }
0x312: {  	v3 =	vadd.f32 v54, v3;
	_ =	sdelay $0x1  }
0x313: {  	[tilespmem:s29+$0xE860] =	vst v3;
	v3 =	vld [tilespmem:s29+$0xE870]  }
0x314: {  	v55 =	vld [tilespmem:s24+$0x4870];
	_ =	sdelay $0x4  }
0x315: {  	v3 =	vadd.f32 v55, v3;
	_ =	sdelay $0x1  }
0x316: {  	[tilespmem:s29+$0xE870] =	vst v3;
	v3 =	vld [tilespmem:s29+$0xEC00]  }
0x317: {  	v56 =	vld [tilespmem:s24+$0x4C00];
	_ =	sdelay $0x4  }
0x318: {  	v3 =	vadd.f32 v56, v3;
	_ =	sdelay $0x1  }
0x319: {  	[tilespmem:s29+$0xEC00] =	vst v3;
	v3 =	vld [tilespmem:s29+$0xEC10]  }
0x31a: {  	v57 =	vld [tilespmem:s24+$0x4C10];
	_ =	sdelay $0x4  }
0x31b: {  	v3 =	vadd.f32 v57, v3;
	_ =	sdelay $0x1  }
0x31c: {  	[tilespmem:s29+$0xEC10] =	vst v3;
	v3 =	vld [tilespmem:s29+$0xEC20]  }
0x31d: {  	v58 =	vld [tilespmem:s24+$0x4C20];
	_ =	sdelay $0x4  }
0x31e: {  	v3 =	vadd.f32 v58, v3;
	_ =	sdelay $0x1  }
0x31f: {  	[tilespmem:s29+$0xEC20] =	vst v3;
	v3 =	vld [tilespmem:s29+$0xEC30]  }
0x320: {  	v59 =	vld [tilespmem:s24+$0x4C30];
	_ =	sdelay $0x4  }
0x321: {  	v3 =	vadd.f32 v59, v3;
	_ =	sdelay $0x1  }
0x322: {  	[tilespmem:s29+$0xEC30] =	vst v3;
	v3 =	vld [tilespmem:s29+$0xEC40]  }
0x323: {  	v60 =	vld [tilespmem:s24+$0x4C40];
	_ =	sdelay $0x4  }
0x324: {  	v3 =	vadd.f32 v60, v3;
	_ =	sdelay $0x1  }
0x325: {  	[tilespmem:s29+$0xEC40] =	vst v3;
	v3 =	vld [tilespmem:s29+$0xEC50]  }
0x326: {  	v61 =	vld [tilespmem:s24+$0x4C50];
	_ =	sdelay $0x4  }
0x327: {  	v3 =	vadd.f32 v61, v3;
	_ =	sdelay $0x1  }
0x328: {  	[tilespmem:s29+$0xEC50] =	vst v3;
	v3 =	vld [tilespmem:s29+$0xEC60]  }
0x329: {  	v62 =	vld [tilespmem:s24+$0x4C60];
	_ =	sdelay $0x4  }
0x32a: {  	v3 =	vadd.f32 v62, v3;
	_ =	sdelay $0x1  }
0x32b: {  	[tilespmem:s29+$0xEC60] =	vst v3;
	v3 =	vld [tilespmem:s29+$0xEC70]  }
0x32c: {  	v63 =	vld [tilespmem:s24+$0x4C70];
	_ =	sdelay $0x4  }
0x32d: {  	v3 =	vadd.f32 v63, v3;
	_ =	sdelay $0x1  }
.Ltmp5:
0x32e: {  	s22 =	sadd.s32 $0x1000, s22;
	[tilespmem:s29+$0xEC70] =	vst v3;
	(pc) =	sbr.rel @p0 .LBB2_10-.Ltmp5, $4  }
0x32f: {  	[hbm4b:s22+s4] =	stream.linear.scatter [tilespmem:s28], [sflag:$0x3], $0x8000, $0x38;
	[tilespmem:$0x16000] =	vst v63  }
0x330: {  	_ =	swait.ge [sflag:s9], $0x8000  }
0x331: {  	[sflag:s9] =	ssyncset.done $0x0  }
0x332: {  	[sflag:s9] =	ssyncadd.s32 $0xFFFF8000  }
0x333: {  	s21 =	sshrl.u32 s21, $0x2  }
0x334: {  	v3 =	vld [tilespmem:s21+$0x180];
	_ =	sdelay $0x4  }
0x335: {  	v4 =	vshll.u32 v3, $0x2  }
0x336: {  	v3 =	vand.u32 $0x7, v3;
	v4 =	vand.u32 $0xFFFFFFE0, v4  }
0x337: {  	v3 =	vor.u32 v3, v4  }
0x338: {  	v4 =	vperm.xlane v3, v0;
	_ =	sdelay $0x1  }
0x339: {  	v4 =	vadd.s32 v1, v4;
	_ =	sdelay $0x1  }
0x33a: {  	v3 =	vperm.xlane v3, v2;
	_ =	sdelay $0x1  }
0x33b: {  	v3 =	vadd.s32 v1, v3  }
0x33c: {  	[tilespmem:s28], [sflag:$0x2] =	stream.indirect_vreg.gather [hbm4b:s3+s4], $0x80, v4, vm0, $0xb8;
	[tilespmem:$0x16000] =	vst v63  }
0x33d: {  	s22 =	simm.s32 $0xE800  }
0x33e: {  	[tilespmem:s22], [sflag:$0x2] =	stream.indirect_vreg.gather [hbm4b:s6+s4], $0x80, v4, vm0, $0xb8;
	[tilespmem:$0x16000] =	vst v63  }
0x33f: {  	s30 =	simm.s32 $0xF000  }
0x340: {  	[tilespmem:s30], [sflag:$0x2] =	stream.indirect_vreg.gather [hbm4b:s3+s4], $0x80, v3, vm0, $0xb8;
	[tilespmem:$0x16000] =	vst v63  }
0x341: {  	_ = 	snop  }
0x342: {  	[tilespmem:s31], [sflag:$0x2] =	stream.indirect_vreg.gather [hbm4b:s6+s4], $0x80, v3, vm0, $0xb8;
	[tilespmem:$0x16000] =	vst v63  }
0x343: {  	v3 =	vld [tilespmem:s21+$0x190];
	_ =	sdelay $0x4  }
0x344: {  	v61 =	vshll.u32 v3, $0x2  }
0x345: {  	v3 =	vand.u32 $0x7, v3;
	v4 =	vand.u32 $0xFFFFFFE0, v61  }
0x346: {  	v3 =	vor.u32 v3, v4  }
0x347: {  	v4 =	vperm.xlane v3, v0;
	_ =	sdelay $0x1  }
0x348: {  	v4 =	vadd.s32 v1, v4;
	_ =	sdelay $0x1  }
0x349: {  	v3 =	vperm.xlane v3, v2;
	_ =	sdelay $0x1  }
0x34a: {  	v3 =	vadd.s32 v1, v3  }
0x34b: {  	[tilespmem:s0], [sflag:$0x2] =	stream.indirect_vreg.gather [hbm4b:s3+s4], $0x80, v4, vm0, $0xb8;
	[tilespmem:$0x16000] =	vst v63  }
0x34c: {  	_ = 	snop  }
0x34d: {  	[tilespmem:s1], [sflag:$0x2] =	stream.indirect_vreg.gather [hbm4b:s6+s4], $0x80, v4, vm0, $0xb8;
	[tilespmem:$0x16000] =	vst v63  }
0x34e: {  	_ = 	snop  }
0x34f: {  	[tilespmem:s2], [sflag:$0x2] =	stream.indirect_vreg.gather [hbm4b:s3+s4], $0x80, v3, vm0, $0xb8;
	[tilespmem:$0x16000] =	vst v63  }
0x350: {  	_ = 	snop  }
0x351: {  	[tilespmem:s10], [sflag:$0x2] =	stream.indirect_vreg.gather [hbm4b:s6+s4], $0x80, v3, vm0, $0xb8;
	[tilespmem:$0x16000] =	vst v63  }
0x352: {  	v3 =	vld [tilespmem:s21+$0x1A0];
	_ =	sdelay $0x4  }
0x353: {  	v62 =	vshll.u32 v3, $0x2  }
0x354: {  	v3 =	vand.u32 $0x7, v3;
	v4 =	vand.u32 $0xFFFFFFE0, v62  }
0x355: {  	v3 =	vor.u32 v3, v4  }
0x356: {  	v4 =	vperm.xlane v3, v0;
	_ =	sdelay $0x1  }
0x357: {  	v4 =	vadd.s32 v1, v4;
	_ =	sdelay $0x1  }
0x358: {  	v3 =	vperm.xlane v3, v2;
	_ =	sdelay $0x1  }
0x359: {  	v3 =	vadd.s32 v1, v3  }
0x35a: {  	[tilespmem:s5], [sflag:$0x2] =	stream.indirect_vreg.gather [hbm4b:s3+s4], $0x80, v4, vm0, $0xb8;
	[tilespmem:$0x16000] =	vst v63  }
0x35b: {  	_ = 	snop  }
0x35c: {  	[tilespmem:s8], [sflag:$0x2] =	stream.indirect_vreg.gather [hbm4b:s6+s4], $0x80, v4, vm0, $0xb8;
	[tilespmem:$0x16000] =	vst v63  }
0x35d: {  	_ = 	snop  }
0x35e: {  	[tilespmem:s12], [sflag:$0x2] =	stream.indirect_vreg.gather [hbm4b:s3+s4], $0x80, v3, vm0, $0xb8;
	[tilespmem:$0x16000] =	vst v63  }
0x35f: {  	_ = 	snop  }
0x360: {  	[tilespmem:s13], [sflag:$0x2] =	stream.indirect_vreg.gather [hbm4b:s6+s4], $0x80, v3, vm0, $0xb8;
	[tilespmem:$0x16000] =	vst v63  }
0x361: {  	v3 =	vld [tilespmem:s21+$0x1B0];
	_ =	sdelay $0x4  }
0x362: {  	v63 =	vshll.u32 v3, $0x2  }
0x363: {  	v3 =	vand.u32 $0x7, v3;
	v4 =	vand.u32 $0xFFFFFFE0, v63  }
0x364: {  	v3 =	vor.u32 v3, v4  }
0x365: {  	v4 =	vperm.xlane v3, v0;
	_ =	sdelay $0x1  }
0x366: {  	v4 =	vadd.s32 v1, v4;
	_ =	sdelay $0x2  }
0x367: {  	v3 =	vperm.xlane v3, v2;
	_ =	sdelay $0x1  }
0x368: {  	v3 =	vadd.s32 v1, v3;
	[tilespmem:s14], [sflag:$0x2] =	stream.indirect_vreg.gather [hbm4b:s3+s4], $0x80, v4, vm0, $0xb8;
	[tilespmem:$0x16000] =	vst v63  }
0x369: {  	_ = 	snop  }
0x36a: {  	[tilespmem:s15], [sflag:$0x2] =	stream.indirect_vreg.gather [hbm4b:s6+s4], $0x80, v4, vm0, $0xb8;
	[tilespmem:$0x16000] =	vst v63  }
.Ltmp6:
0x36b: {  	_ = 	snop;
	(pc) =	sbr.rel .LBB2_2-.Ltmp6, $4  }
0x36c: {  	_ = 	snop  }
0x36d: {  	[tilespmem:s16], [sflag:$0x2] =	stream.indirect_vreg.gather [hbm4b:s3+s4], $0x80, v3, vm0, $0xb8;
	[tilespmem:$0x16000] =	vst v63  }
0x36e: {  	s20 =	sadd.s32 $0x1, s20  }
0x36f: {  	[tilespmem:s17], [sflag:$0x2] =	stream.indirect_vreg.gather [hbm4b:s6+s4], $0x80, v3, vm0, $0xb8;
	[tilespmem:$0x16000] =	vst v63  }
.LBB2_11:
0x370: {  	_ =	sfence.sel $0x180000  }
0x371: {  	[bflag:$0x0] =	sbarrier.arrive $0xFFFF  }
0x372: {  	_ =	strace $0x90000047  }
0x373: {  	s0 =	stileid.u32;
	[bflag:$0x2] =	sbarrier.arrive $0xFFFF  }
0x374: {  	p0 =	sne.s32 s0, $0x0;
	s0 =	rddreg [dreg:$0x4]  }
0x375: {  	s0 =	sadd.s32 @!p0 $0x100000, s0  }
0x376: {  	[sflag:s0] =	ssyncadd.tile.s32 @!p0 $0x1;
	_ =	shalt  }
.Lfunc_end2:
_tile_overlayer_lowered:
.L_overlay_start_2:
0x377: {  	(tag) =	ssettag $0x2  }
0x378: {  	s0 =	rddreg [dreg:$0x0];
	s2 =	stileid.u32  }
0x379: {  	s1 =	rddreg [dreg:$0x1];
	p0 =	sne.s32 s2, $0x0  }
0x37a: {  	s3 =	rddreg [dreg:$0x2];
	[bflag:$0x3] =	sbarrier.arrive $0xFFFF;
	s2 =	simm.s32 @!p0 $0x1C03  }
0x37b: {  	[timem:s3], [sflag:s2] =	dma.local @!p0 [hbm:s0], s1  }
0x37c: {  	s0 =	simm.s32 @!p0 $0x3  }
0x37d: {  	_ =	swait.ge @!p0 [sflag:s0], s1  }
0x37e: {  	s1 =	ssub.s32 @!p0 $0x0, s1;
	[sflag:s0] =	ssyncset.done @!p0 $0x0  }
0x37f: {  	[sflag:s0] =	ssyncadd.s32 @!p0 s1  }
0x380: {  	[bflag:$0x3] =	sbarrier.arrive $0xFFFF  }
0x381: {  	_ =	shalt  }

</sc_bundles>
